<compile_context>
chip_gen: v7x
topology: tpu7x:2x2x1
jax: 0.10.2.dev20260603
libtpu: 0.0.44.dev20260713+nightly
codegen_flags: <defaults>
</compile_context>

<pallas_src>
import functools

import jax
import jax.numpy as jnp
import numpy as np
from jax import lax
from jax.experimental import pallas as pl
from jax.experimental.pallas import tpu as pltpu
from jax.experimental.pallas import tpu_sc as plsc

N = 10000
NP = 10240
E = 320000
D = 128
B = 128
NTILES = 32
NBLK = 80
NBLK_TOT = NTILES * NBLK
EPAD = NBLK_TOT * B
STRIPE = NP // 16
NBUF = 4

_MESH = plsc.VectorSubcoreMesh(core_axis_name="c", subcore_axis_name="s")


def _deg_body(ei_hbm, out_hbm, dst_v, hist_v):
    c = lax.axis_index("c")
    s = lax.axis_index("s")
    wid = c * 16 + s
    pltpu.sync_copy(ei_hbm.at[1, pl.ds(wid * NBLK, NBLK)], dst_v)

    def zero(i, carry):
        hist_v[pl.ds(i * 16, 16)] = jnp.zeros((16,), jnp.float32)
        return carry

    lax.fori_loop(0, NP // 16, zero, 0)
    ones = jnp.ones((16,), jnp.float32)

    def blk(j, carry):
        for k in range(B // 16):
            idx = dst_v[j, pl.ds(k * 16, 16)]
            plsc.addupdate_scatter(hist_v, [idx], ones)
        return carry

    lax.fori_loop(0, NBLK, blk, 0)
    pltpu.sync_copy(hist_v, out_hbm.at[c, s])


@functools.partial(
    pl.kernel,
    out_type=pltpu.HBM((2, 16, NP), jnp.float32),
    mesh=_MESH,
    scratch_types=[
        pltpu.VMEM((NBLK, B), jnp.int32),
        pltpu.VMEM((NP,), jnp.float32),
    ],
    compiler_params=pltpu.CompilerParams(needs_layout_passes=False),
)
def _deg_kernel(ei_hbm, out_hbm, dst_v, hist_v):
    _deg_body(ei_hbm, out_hbm, dst_v, hist_v)


NCHUNK = 2
CBLK = NBLK // NCHUNK


def _scat_body(xs_hbm, ei_hbm, out_hbm,
               src_v, dst_v, buf0, buf1, acc_sh, sem0, sem1):
    c = lax.axis_index("c")
    s = lax.axis_index("s")
    wid = c * 16 + s

    bufs = [buf0, buf1]
    sems = [sem0, sem1]

    def z(i, carry):
        for k in range(D // 16):
            buf0[i, pl.ds(k * 16, 16)] = jnp.zeros((16,), jnp.float32)
        return carry

    lax.fori_loop(0, B, z, 0)
    base = s * STRIPE
    for t in range(5):
        pltpu.sync_copy(buf0, acc_sh.at[pl.ds(base + t * B, B)])
    plsc.subcore_barrier()

    pltpu.sync_copy(ei_hbm.at[0, pl.ds(wid * NBLK, NBLK)], src_v)
    pltpu.sync_copy(ei_hbm.at[1, pl.ds(wid * NBLK, CBLK)], dst_v)

    for b in range(2):
        pltpu.async_copy(xs_hbm.at[src_v.at[b]], bufs[b], sems[b])

    def make_ring(ci):
        def ring(j, carry):
            for b in range(2):
                i = j * 2 + b
                g = ci * CBLK + i
                pltpu.make_async_copy(xs_hbm.at[src_v.at[g]], bufs[b],
                                      sems[b]).wait()
                pltpu.sync_copy(bufs[b], acc_sh.at[dst_v.at[i]], add=True)
                pltpu.async_copy(xs_hbm.at[src_v.at[(g + 2) % NBLK]],
                                 bufs[b], sems[b])
            return carry
        return ring

    lax.fori_loop(0, CBLK // 2, make_ring(0), 0)
    pltpu.sync_copy(ei_hbm.at[1, pl.ds(wid * NBLK + CBLK, CBLK)], dst_v)
    lax.fori_loop(0, CBLK // 2, make_ring(1), 0)
    for b in range(2):
        pltpu.make_async_copy(xs_hbm.at[src_v.at[b]], bufs[b],
                              sems[b]).wait()

    plsc.subcore_barrier()
    pltpu.sync_copy(acc_sh.at[pl.ds(base, STRIPE)],
                    out_hbm.at[c, pl.ds(base, STRIPE)])


@functools.partial(
    pl.kernel,
    out_type=pltpu.HBM((2, NP, D), jnp.float32),
    mesh=_MESH,
    scratch_types=[
        pltpu.VMEM((NBLK, B), jnp.int32),
        pltpu.VMEM((CBLK, B), jnp.int32),
        pltpu.VMEM((B, D), jnp.float32),
        pltpu.VMEM((B, D), jnp.float32),
        pltpu.VMEM_SHARED((NP, D), jnp.float32),
        pltpu.SemaphoreType.DMA,
        pltpu.SemaphoreType.DMA,
    ],
)
def _scat_kernel(xs_hbm, ei_hbm, out_hbm,
                 src_v, dst_v, buf0, buf1, acc_sh, sem0, sem1):
    _scat_body(xs_hbm, ei_hbm, out_hbm,
               src_v, dst_v, buf0, buf1, acc_sh, sem0, sem1)


def _scale_body(degp_ref, x_ref, xs_ref):
    deg = (jnp.sum(degp_ref[0, :, 0:N], axis=0)
           + jnp.sum(degp_ref[1, :, 0:N], axis=0) + 1.0)
    dinv = lax.rsqrt(deg)[:, None]
    xs_ref[0:N, :] = x_ref[...] * dinv
    xs_ref[N:NP, :] = jnp.zeros((NP - N, D), jnp.float32)


def _scale_call(degp, x):
    return pl.pallas_call(
        _scale_body,
        out_shape=jax.ShapeDtypeStruct((NP, D), jnp.float32),
    )(degp, x)


def _out_body(acc_ref, degp_ref, x_ref, wmu_ref, bmu_ref, wvar_ref, bvar_ref,
              mu_ref, var_ref):
    deg = (jnp.sum(degp_ref[0, :, 0:N], axis=0)
           + jnp.sum(degp_ref[1, :, 0:N], axis=0) + 1.0)
    dinv = lax.rsqrt(deg)[:, None]
    ssum = acc_ref[0, 0:N, :] + acc_ref[1, 0:N, :]
    agg = dinv * (ssum + dinv * x_ref[...])
    mu_ref[...] = jnp.dot(agg, wmu_ref[...],
                          preferred_element_type=jnp.float32) + bmu_ref[...]
    var_ref[...] = jnp.dot(agg, wvar_ref[...],
                           preferred_element_type=jnp.float32) + bvar_ref[...]


def _out_call(acc, degp, x, Wmu, bmu, Wvar, bvar):
    return pl.pallas_call(
        _out_body,
        out_shape=(
            jax.ShapeDtypeStruct((N, D), jnp.float32),
            jax.ShapeDtypeStruct((N, D), jnp.float32),
        ),
    )(acc, degp, x, Wmu, bmu, Wvar, bvar)


def kernel(x, edge_index, Wmu, bmu, Wvar, bvar):
    pad_blk = jnp.asarray(np.stack([
        np.arange(EPAD - E, dtype=np.int32) % N,
        N + np.arange(EPAD - E, dtype=np.int32) % (NP - N),
    ]))
    eip = jnp.concatenate([edge_index, pad_blk], axis=1)
    eip = eip.reshape(2, NBLK_TOT, B)

    degp = _deg_kernel(eip)
    xs = _scale_call(degp, x)
    acc = _scat_kernel(xs, eip)
    mu, var = _out_call(acc, degp, x, Wmu, bmu.reshape(1, D),
                        Wvar, bvar.reshape(1, D))
    return (mu, var)

# --- scband reference (transcript-rebuilt; emitter-appended) ---
"""Pipeline reference for scband-variational-encoder-22333829939968 (READ-ONLY COPY).

The authoritative reference and input builder live on the scoring server;
editing this copy changes nothing except your own understanding.
"""

import jax, jax.numpy as jnp
import numpy as np

N_NODES = 10000
N_EDGES = 320000
D_IN = 128
D_OUT = 128


def gcn_conv(x, edge_index, W, b):
    # Faithful PyG GCNConv: add self-loops, symmetric normalization D^-1/2 A_hat D^-1/2, linear, bias
    num_nodes = x.shape[0]
    loop = jnp.arange(num_nodes, dtype=edge_index.dtype)
    src = jnp.concatenate([edge_index[0], loop])
    dst = jnp.concatenate([edge_index[1], loop])
    deg = jnp.zeros((num_nodes,), dtype=x.dtype).at[dst].add(1.0)
    dinv = jnp.where(deg > 0, 1.0 / jnp.sqrt(deg), 0.0)
    norm = dinv[src] * dinv[dst]
    h = x @ W
    msg = jnp.take(h, src, axis=0) * norm[:, None]
    out = jnp.zeros((num_nodes, W.shape[1]), dtype=x.dtype).at[dst].add(msg)
    return out + b


def setup_inputs(seed: int = 0) -> dict:
    key = jax.random.key(seed)
    k1, k2, k3, k4, k5, k6 = jax.random.split(key, 6)
    x = jax.random.normal(k1, (N_NODES, D_IN), dtype=jnp.float32)
    edge_index = jax.random.randint(k2, (2, N_EDGES), 0, N_NODES, dtype=jnp.int32)
    scale = 1.0 / np.sqrt(D_IN)
    Wmu = jax.random.normal(k3, (D_IN, D_OUT), dtype=jnp.float32) * scale
    bmu = jnp.zeros((D_OUT,), dtype=jnp.float32)
    Wvar = jax.random.normal(k4, (D_IN, D_OUT), dtype=jnp.float32) * scale
    bvar = jnp.zeros((D_OUT,), dtype=jnp.float32)
    return {"x": x, "edge_index": edge_index, "Wmu": Wmu, "bmu": bmu, "Wvar": Wvar, "bvar": bvar}


def reference(x, edge_index, Wmu, bmu, Wvar, bvar):
    # hidden_layer_sizes=[] -> each branch is a single GCNConv; no ReLU/Dropout layers exist
    mu = gcn_conv(x, edge_index, Wmu, bmu)
    var = gcn_conv(x, edge_index, Wvar, bvar)
    return (mu, var)

if __name__ == "__main__":
    import jax
    _d = setup_inputs()
    print(jax.jit(kernel)(*tuple(_d.values())))

</pallas_src>

<mosaic_0001>
#map = affine_map<(d0, d1) -> (0, 0)>
#map1 = affine_map<(d0, d1) -> (0, 0, 0)>
module attributes {stable_mosaic.version = 14 : i64} {
  func.func @_scat_kernel(%arg0: i32, %arg1: i32, %arg2: memref<10240x128xf32, #tpu.memory_space<hbm>>, %arg3: memref<2x2560x128xi32, #tpu.memory_space<hbm>>, %arg4: memref<2x10240x128xf32, #tpu.memory_space<hbm>>, %arg5: memref<80x128xi32, #tpu.memory_space<vmem>>, %arg6: memref<40x128xi32, #tpu.memory_space<vmem>>, %arg7: memref<128x128xf32, #tpu.memory_space<vmem>>, %arg8: memref<128x128xf32, #tpu.memory_space<vmem>>, %arg9: memref<10240x128xf32, #tpu.memory_space<vmem_shared>>, %arg10: memref<!tpu.dma_semaphore, #tpu.memory_space<semaphore_mem>>, %arg11: memref<!tpu.dma_semaphore, #tpu.memory_space<semaphore_mem>>) attributes {dimension_semantics = [#tpu.dimension_semantics<core_parallel>, #tpu.dimension_semantics<subcore_parallel>], iteration_bounds = array<i64: 2, 16>, scalar_prefetch = 0 : i64, scratch_operands = 7 : i64, tpu.core_type = #tpu.core_type<sc_vector_subcore>, window_params = [{transform_indices = #map}, {transform_indices = #map1}, {transform_indices = #map1}]} {
    %mul3A = arith.constant 16 : i32
    %mul3A_0 = arith.muli %arg0, %mul3A : i32
    %add3A = arith.addi %mul3A_0, %arg1 : i32
    %scan3A = arith.constant 0 : i32
    %scan3A_1 = arith.constant 0 : i32
    %scan3A_2 = arith.constant 128 : i32
    %scan3A_3 = arith.addi %scan3A_1, %scan3A_2 : i32
    %scan3A_4 = arith.constant 1 : i32
    scf.for %scan3A_67 = %scan3A_1 to %scan3A_3 step %scan3A_4  : i32 {
      %broadcast_in_dim3A = arith.constant 0.000000e+00 : f32
      %broadcast_in_dim3A_68 = vector.broadcast %broadcast_in_dim3A : f32 to vector<16xf32>
      %swap3A = arith.index_cast %scan3A_67 : i32 to index
      %swap3A_69 = arith.constant 0 : index
      %swap3A_70 = tpu.vector_load %arg7[%swap3A, %swap3A_69] {strides = array<i32>} : memref<128x128xf32, #tpu.memory_space<vmem>>, vector<1x16xf32>,
      %swap3A_71 = vector.shape_cast %swap3A_70 : vector<1x16xf32> to vector<16xf32>
      %swap3A_72 = vector.shape_cast %broadcast_in_dim3A_68 : vector<16xf32> to vector<1x16xf32>
      tpu.vector_store %arg7[%swap3A, %swap3A_69], %swap3A_72 {strides = array<i32>} : memref<128x128xf32, #tpu.memory_space<vmem>>, vector<1x16xf32>,
      %broadcast_in_dim3A_73 = arith.constant 0.000000e+00 : f32
      %broadcast_in_dim3A_74 = vector.broadcast %broadcast_in_dim3A_73 : f32 to vector<16xf32>
      %swap3A_75 = arith.index_cast %scan3A_67 : i32 to index
      %swap3A_76 = arith.constant 16 : index
      %swap3A_77 = tpu.vector_load %arg7[%swap3A_75, %swap3A_76] {strides = array<i32>} : memref<128x128xf32, #tpu.memory_space<vmem>>, vector<1x16xf32>,
      %swap3A_78 = vector.shape_cast %swap3A_77 : vector<1x16xf32> to vector<16xf32>
      %swap3A_79 = vector.shape_cast %broadcast_in_dim3A_74 : vector<16xf32> to vector<1x16xf32>
      tpu.vector_store %arg7[%swap3A_75, %swap3A_76], %swap3A_79 {strides = array<i32>} : memref<128x128xf32, #tpu.memory_space<vmem>>, vector<1x16xf32>,
      %broadcast_in_dim3A_80 = arith.constant 0.000000e+00 : f32
      %broadcast_in_dim3A_81 = vector.broadcast %broadcast_in_dim3A_80 : f32 to vector<16xf32>
      %swap3A_82 = arith.index_cast %scan3A_67 : i32 to index
      %swap3A_83 = arith.constant 32 : index
      %swap3A_84 = tpu.vector_load %arg7[%swap3A_82, %swap3A_83] {strides = array<i32>} : memref<128x128xf32, #tpu.memory_space<vmem>>, vector<1x16xf32>,
      %swap3A_85 = vector.shape_cast %swap3A_84 : vector<1x16xf32> to vector<16xf32>
      %swap3A_86 = vector.shape_cast %broadcast_in_dim3A_81 : vector<16xf32> to vector<1x16xf32>
      tpu.vector_store %arg7[%swap3A_82, %swap3A_83], %swap3A_86 {strides = array<i32>} : memref<128x128xf32, #tpu.memory_space<vmem>>, vector<1x16xf32>,
      %broadcast_in_dim3A_87 = arith.constant 0.000000e+00 : f32
      %broadcast_in_dim3A_88 = vector.broadcast %broadcast_in_dim3A_87 : f32 to vector<16xf32>
      %swap3A_89 = arith.index_cast %scan3A_67 : i32 to index
      %swap3A_90 = arith.constant 48 : index
      %swap3A_91 = tpu.vector_load %arg7[%swap3A_89, %swap3A_90] {strides = array<i32>} : memref<128x128xf32, #tpu.memory_space<vmem>>, vector<1x16xf32>,
      %swap3A_92 = vector.shape_cast %swap3A_91 : vector<1x16xf32> to vector<16xf32>
      %swap3A_93 = vector.shape_cast %broadcast_in_dim3A_88 : vector<16xf32> to vector<1x16xf32>
      tpu.vector_store %arg7[%swap3A_89, %swap3A_90], %swap3A_93 {strides = array<i32>} : memref<128x128xf32, #tpu.memory_space<vmem>>, vector<1x16xf32>,
      %broadcast_in_dim3A_94 = arith.constant 0.000000e+00 : f32
      %broadcast_in_dim3A_95 = vector.broadcast %broadcast_in_dim3A_94 : f32 to vector<16xf32>
      %swap3A_96 = arith.index_cast %scan3A_67 : i32 to index
      %swap3A_97 = arith.constant 64 : index
      %swap3A_98 = tpu.vector_load %arg7[%swap3A_96, %swap3A_97] {strides = array<i32>} : memref<128x128xf32, #tpu.memory_space<vmem>>, vector<1x16xf32>,
      %swap3A_99 = vector.shape_cast %swap3A_98 : vector<1x16xf32> to vector<16xf32>
      %swap3A_100 = vector.shape_cast %broadcast_in_dim3A_95 : vector<16xf32> to vector<1x16xf32>
      tpu.vector_store %arg7[%swap3A_96, %swap3A_97], %swap3A_100 {strides = array<i32>} : memref<128x128xf32, #tpu.memory_space<vmem>>, vector<1x16xf32>,
      %broadcast_in_dim3A_101 = arith.constant 0.000000e+00 : f32
      %broadcast_in_dim3A_102 = vector.broadcast %broadcast_in_dim3A_101 : f32 to vector<16xf32>
      %swap3A_103 = arith.index_cast %scan3A_67 : i32 to index
      %swap3A_104 = arith.constant 80 : index
      %swap3A_105 = tpu.vector_load %arg7[%swap3A_103, %swap3A_104] {strides = array<i32>} : memref<128x128xf32, #tpu.memory_space<vmem>>, vector<1x16xf32>,
      %swap3A_106 = vector.shape_cast %swap3A_105 : vector<1x16xf32> to vector<16xf32>
      %swap3A_107 = vector.shape_cast %broadcast_in_dim3A_102 : vector<16xf32> to vector<1x16xf32>
      tpu.vector_store %arg7[%swap3A_103, %swap3A_104], %swap3A_107 {strides = array<i32>} : memref<128x128xf32, #tpu.memory_space<vmem>>, vector<1x16xf32>,
      %broadcast_in_dim3A_108 = arith.constant 0.000000e+00 : f32
      %broadcast_in_dim3A_109 = vector.broadcast %broadcast_in_dim3A_108 : f32 to vector<16xf32>
      %swap3A_110 = arith.index_cast %scan3A_67 : i32 to index
      %swap3A_111 = arith.constant 96 : index
      %swap3A_112 = tpu.vector_load %arg7[%swap3A_110, %swap3A_111] {strides = array<i32>} : memref<128x128xf32, #tpu.memory_space<vmem>>, vector<1x16xf32>,
      %swap3A_113 = vector.shape_cast %swap3A_112 : vector<1x16xf32> to vector<16xf32>
      %swap3A_114 = vector.shape_cast %broadcast_in_dim3A_109 : vector<16xf32> to vector<1x16xf32>
      tpu.vector_store %arg7[%swap3A_110, %swap3A_111], %swap3A_114 {strides = array<i32>} : memref<128x128xf32, #tpu.memory_space<vmem>>, vector<1x16xf32>,
      %broadcast_in_dim3A_115 = arith.constant 0.000000e+00 : f32
      %broadcast_in_dim3A_116 = vector.broadcast %broadcast_in_dim3A_115 : f32 to vector<16xf32>
      %swap3A_117 = arith.index_cast %scan3A_67 : i32 to index
      %swap3A_118 = arith.constant 112 : index
      %swap3A_119 = tpu.vector_load %arg7[%swap3A_117, %swap3A_118] {strides = array<i32>} : memref<128x128xf32, #tpu.memory_space<vmem>>, vector<1x16xf32>,
      %swap3A_120 = vector.shape_cast %swap3A_119 : vector<1x16xf32> to vector<16xf32>
      %swap3A_121 = vector.shape_cast %broadcast_in_dim3A_116 : vector<16xf32> to vector<1x16xf32>
      tpu.vector_store %arg7[%swap3A_117, %swap3A_118], %swap3A_121 {strides = array<i32>} : memref<128x128xf32, #tpu.memory_space<vmem>>, vector<1x16xf32>,
    }
    %scan3A_5 = arith.constant 128 : i32
    %mul3A_6 = arith.constant 640 : i32
    %mul3A_7 = arith.muli %arg1, %mul3A_6 : i32
    %add3A_8 = arith.constant 0 : i32
    %add3A_9 = arith.addi %mul3A_7, %add3A_8 : i32
    "tpu.region"() ({
      %run_scoped3A_67 = tpu.sem_alloc : memref<!tpu.dma_semaphore, #tpu.memory_space<semaphore_mem>>
      %dma_start3A_68 = arith.constant 0 : i32
      %dma_start3A_69 = tpu.memref_slice %arg9[%add3A_9, %dma_start3A_68] : memref<10240x128xf32, #tpu.memory_space<vmem_shared>> -> memref<128x128xf32, #tpu.memory_space<vmem_shared>>
      %dma_start3A_70 = arith.constant 0 : i32
      %dma_start3A_71 = tpu.memref_slice %arg9[%add3A_9, %dma_start3A_70] : memref<10240x128xf32, #tpu.memory_space<vmem_shared>> -> memref<128x128xf32, #tpu.memory_space<vmem_shared>>
      tpu.enqueue_dma source(%arg7 : memref<128x128xf32, #tpu.memory_space<vmem>>) target(%dma_start3A_71 : memref<128x128xf32, #tpu.memory_space<vmem_shared>>) target_semaphore(%run_scoped3A_67 : memref<!tpu.dma_semaphore, #tpu.memory_space<semaphore_mem>>)
      %dma_wait3A_72 = arith.constant 0 : i32
      %dma_wait3A_73 = tpu.memref_slice %arg9[%add3A_9, %dma_wait3A_72] : memref<10240x128xf32, #tpu.memory_space<vmem_shared>> -> memref<128x128xf32, #tpu.memory_space<vmem_shared>>
      %dma_wait3A_74 = arith.constant 0 : i32
      %dma_wait3A_75 = tpu.memref_slice %arg9[%add3A_9, %dma_wait3A_74] : memref<10240x128xf32, #tpu.memory_space<vmem_shared>> -> memref<128x128xf32, #tpu.memory_space<vmem_shared>>
      tpu.wait_dma2 semaphore(%run_scoped3A_67 : memref<!tpu.dma_semaphore, #tpu.memory_space<semaphore_mem>>) src(%arg7 : memref<128x128xf32, #tpu.memory_space<vmem>>) dst(%dma_wait3A_75 : memref<128x128xf32, #tpu.memory_space<vmem_shared>>)
      tpu.yield
    }) : () -> ()
    %add3A_10 = arith.constant 128 : i32
    %add3A_11 = arith.addi %mul3A_7, %add3A_10 : i32
    "tpu.region"() ({
      %run_scoped3A_67 = tpu.sem_alloc : memref<!tpu.dma_semaphore, #tpu.memory_space<semaphore_mem>>
      %dma_start3A_68 = arith.constant 0 : i32
      %dma_start3A_69 = tpu.memref_slice %arg9[%add3A_11, %dma_start3A_68] : memref<10240x128xf32, #tpu.memory_space<vmem_shared>> -> memref<128x128xf32, #tpu.memory_space<vmem_shared>>
      %dma_start3A_70 = arith.constant 0 : i32
      %dma_start3A_71 = tpu.memref_slice %arg9[%add3A_11, %dma_start3A_70] : memref<10240x128xf32, #tpu.memory_space<vmem_shared>> -> memref<128x128xf32, #tpu.memory_space<vmem_shared>>
      tpu.enqueue_dma source(%arg7 : memref<128x128xf32, #tpu.memory_space<vmem>>) target(%dma_start3A_71 : memref<128x128xf32, #tpu.memory_space<vmem_shared>>) target_semaphore(%run_scoped3A_67 : memref<!tpu.dma_semaphore, #tpu.memory_space<semaphore_mem>>)
      %dma_wait3A_72 = arith.constant 0 : i32
      %dma_wait3A_73 = tpu.memref_slice %arg9[%add3A_11, %dma_wait3A_72] : memref<10240x128xf32, #tpu.memory_space<vmem_shared>> -> memref<128x128xf32, #tpu.memory_space<vmem_shared>>
      %dma_wait3A_74 = arith.constant 0 : i32
      %dma_wait3A_75 = tpu.memref_slice %arg9[%add3A_11, %dma_wait3A_74] : memref<10240x128xf32, #tpu.memory_space<vmem_shared>> -> memref<128x128xf32, #tpu.memory_space<vmem_shared>>
      tpu.wait_dma2 semaphore(%run_scoped3A_67 : memref<!tpu.dma_semaphore, #tpu.memory_space<semaphore_mem>>) src(%arg7 : memref<128x128xf32, #tpu.memory_space<vmem>>) dst(%dma_wait3A_75 : memref<128x128xf32, #tpu.memory_space<vmem_shared>>)
      tpu.yield
    }) : () -> ()
    %add3A_12 = arith.constant 256 : i32
    %add3A_13 = arith.addi %mul3A_7, %add3A_12 : i32
    "tpu.region"() ({
      %run_scoped3A_67 = tpu.sem_alloc : memref<!tpu.dma_semaphore, #tpu.memory_space<semaphore_mem>>
      %dma_start3A_68 = arith.constant 0 : i32
      %dma_start3A_69 = tpu.memref_slice %arg9[%add3A_13, %dma_start3A_68] : memref<10240x128xf32, #tpu.memory_space<vmem_shared>> -> memref<128x128xf32, #tpu.memory_space<vmem_shared>>
      %dma_start3A_70 = arith.constant 0 : i32
      %dma_start3A_71 = tpu.memref_slice %arg9[%add3A_13, %dma_start3A_70] : memref<10240x128xf32, #tpu.memory_space<vmem_shared>> -> memref<128x128xf32, #tpu.memory_space<vmem_shared>>
      tpu.enqueue_dma source(%arg7 : memref<128x128xf32, #tpu.memory_space<vmem>>) target(%dma_start3A_71 : memref<128x128xf32, #tpu.memory_space<vmem_shared>>) target_semaphore(%run_scoped3A_67 : memref<!tpu.dma_semaphore, #tpu.memory_space<semaphore_mem>>)
      %dma_wait3A_72 = arith.constant 0 : i32
      %dma_wait3A_73 = tpu.memref_slice %arg9[%add3A_13, %dma_wait3A_72] : memref<10240x128xf32, #tpu.memory_space<vmem_shared>> -> memref<128x128xf32, #tpu.memory_space<vmem_shared>>
      %dma_wait3A_74 = arith.constant 0 : i32
      %dma_wait3A_75 = tpu.memref_slice %arg9[%add3A_13, %dma_wait3A_74] : memref<10240x128xf32, #tpu.memory_space<vmem_shared>> -> memref<128x128xf32, #tpu.memory_space<vmem_shared>>
      tpu.wait_dma2 semaphore(%run_scoped3A_67 : memref<!tpu.dma_semaphore, #tpu.memory_space<semaphore_mem>>) src(%arg7 : memref<128x128xf32, #tpu.memory_space<vmem>>) dst(%dma_wait3A_75 : memref<128x128xf32, #tpu.memory_space<vmem_shared>>)
      tpu.yield
    }) : () -> ()
    %add3A_14 = arith.constant 384 : i32
    %add3A_15 = arith.addi %mul3A_7, %add3A_14 : i32
    "tpu.region"() ({
      %run_scoped3A_67 = tpu.sem_alloc : memref<!tpu.dma_semaphore, #tpu.memory_space<semaphore_mem>>
      %dma_start3A_68 = arith.constant 0 : i32
      %dma_start3A_69 = tpu.memref_slice %arg9[%add3A_15, %dma_start3A_68] : memref<10240x128xf32, #tpu.memory_space<vmem_shared>> -> memref<128x128xf32, #tpu.memory_space<vmem_shared>>
      %dma_start3A_70 = arith.constant 0 : i32
      %dma_start3A_71 = tpu.memref_slice %arg9[%add3A_15, %dma_start3A_70] : memref<10240x128xf32, #tpu.memory_space<vmem_shared>> -> memref<128x128xf32, #tpu.memory_space<vmem_shared>>
      tpu.enqueue_dma source(%arg7 : memref<128x128xf32, #tpu.memory_space<vmem>>) target(%dma_start3A_71 : memref<128x128xf32, #tpu.memory_space<vmem_shared>>) target_semaphore(%run_scoped3A_67 : memref<!tpu.dma_semaphore, #tpu.memory_space<semaphore_mem>>)
      %dma_wait3A_72 = arith.constant 0 : i32
      %dma_wait3A_73 = tpu.memref_slice %arg9[%add3A_15, %dma_wait3A_72] : memref<10240x128xf32, #tpu.memory_space<vmem_shared>> -> memref<128x128xf32, #tpu.memory_space<vmem_shared>>
      %dma_wait3A_74 = arith.constant 0 : i32
      %dma_wait3A_75 = tpu.memref_slice %arg9[%add3A_15, %dma_wait3A_74] : memref<10240x128xf32, #tpu.memory_space<vmem_shared>> -> memref<128x128xf32, #tpu.memory_space<vmem_shared>>
      tpu.wait_dma2 semaphore(%run_scoped3A_67 : memref<!tpu.dma_semaphore, #tpu.memory_space<semaphore_mem>>) src(%arg7 : memref<128x128xf32, #tpu.memory_space<vmem>>) dst(%dma_wait3A_75 : memref<128x128xf32, #tpu.memory_space<vmem_shared>>)
      tpu.yield
    }) : () -> ()
    %add3A_16 = arith.constant 512 : i32
    %add3A_17 = arith.addi %mul3A_7, %add3A_16 : i32
    "tpu.region"() ({
      %run_scoped3A_67 = tpu.sem_alloc : memref<!tpu.dma_semaphore, #tpu.memory_space<semaphore_mem>>
      %dma_start3A_68 = arith.constant 0 : i32
      %dma_start3A_69 = tpu.memref_slice %arg9[%add3A_17, %dma_start3A_68] : memref<10240x128xf32, #tpu.memory_space<vmem_shared>> -> memref<128x128xf32, #tpu.memory_space<vmem_shared>>
      %dma_start3A_70 = arith.constant 0 : i32
      %dma_start3A_71 = tpu.memref_slice %arg9[%add3A_17, %dma_start3A_70] : memref<10240x128xf32, #tpu.memory_space<vmem_shared>> -> memref<128x128xf32, #tpu.memory_space<vmem_shared>>
      tpu.enqueue_dma source(%arg7 : memref<128x128xf32, #tpu.memory_space<vmem>>) target(%dma_start3A_71 : memref<128x128xf32, #tpu.memory_space<vmem_shared>>) target_semaphore(%run_scoped3A_67 : memref<!tpu.dma_semaphore, #tpu.memory_space<semaphore_mem>>)
      %dma_wait3A_72 = arith.constant 0 : i32
      %dma_wait3A_73 = tpu.memref_slice %arg9[%add3A_17, %dma_wait3A_72] : memref<10240x128xf32, #tpu.memory_space<vmem_shared>> -> memref<128x128xf32, #tpu.memory_space<vmem_shared>>
      %dma_wait3A_74 = arith.constant 0 : i32
      %dma_wait3A_75 = tpu.memref_slice %arg9[%add3A_17, %dma_wait3A_74] : memref<10240x128xf32, #tpu.memory_space<vmem_shared>> -> memref<128x128xf32, #tpu.memory_space<vmem_shared>>
      tpu.wait_dma2 semaphore(%run_scoped3A_67 : memref<!tpu.dma_semaphore, #tpu.memory_space<semaphore_mem>>) src(%arg7 : memref<128x128xf32, #tpu.memory_space<vmem>>) dst(%dma_wait3A_75 : memref<128x128xf32, #tpu.memory_space<vmem_shared>>)
      tpu.yield
    }) : () -> ()
    %barrier3A = arith.constant 0 : index
    tpu.barrier barrier_id(%barrier3A)
    %mul3A_18 = arith.constant 80 : i32
    %mul3A_19 = arith.muli %add3A, %mul3A_18 : i32
    %run_scoped3A = arith.constant 0 : i32
    "tpu.region"() ({
      %run_scoped3A_67 = tpu.sem_alloc : memref<!tpu.dma_semaphore, #tpu.memory_space<semaphore_mem>>
      %dma_start3A_68 = arith.constant 0 : i32
      %dma_start3A_69 = tpu.memref_slice %arg3[%run_scoped3A, %mul3A_19, %dma_start3A_68] : memref<2x2560x128xi32, #tpu.memory_space<hbm>> -> memref<1x80x128xi32, #tpu.memory_space<hbm>>
      %dma_start3A_70 = tpu.memref_squeeze %dma_start3A_69 : memref<1x80x128xi32, #tpu.memory_space<hbm>> -> memref<80x128xi32, #tpu.memory_space<hbm>>
      %dma_start3A_71 = arith.constant 0 : i32
      %dma_start3A_72 = tpu.memref_slice %arg3[%run_scoped3A, %mul3A_19, %dma_start3A_71] : memref<2x2560x128xi32, #tpu.memory_space<hbm>> -> memref<1x80x128xi32, #tpu.memory_space<hbm>>
      %dma_start3A_73 = tpu.memref_squeeze %dma_start3A_72 : memref<1x80x128xi32, #tpu.memory_space<hbm>> -> memref<80x128xi32, #tpu.memory_space<hbm>>
      tpu.enqueue_dma source(%dma_start3A_73 : memref<80x128xi32, #tpu.memory_space<hbm>>) target(%arg5 : memref<80x128xi32, #tpu.memory_space<vmem>>) target_semaphore(%run_scoped3A_67 : memref<!tpu.dma_semaphore, #tpu.memory_space<semaphore_mem>>)
      %dma_wait3A_74 = arith.constant 0 : i32
      %dma_wait3A_75 = tpu.memref_slice %arg3[%run_scoped3A, %mul3A_19, %dma_wait3A_74] : memref<2x2560x128xi32, #tpu.memory_space<hbm>> -> memref<1x80x128xi32, #tpu.memory_space<hbm>>
      %dma_wait3A_76 = tpu.memref_squeeze %dma_wait3A_75 : memref<1x80x128xi32, #tpu.memory_space<hbm>> -> memref<80x128xi32, #tpu.memory_space<hbm>>
      %dma_wait3A_77 = arith.constant 0 : i32
      %dma_wait3A_78 = tpu.memref_slice %arg3[%run_scoped3A, %mul3A_19, %dma_wait3A_77] : memref<2x2560x128xi32, #tpu.memory_space<hbm>> -> memref<1x80x128xi32, #tpu.memory_space<hbm>>
      %dma_wait3A_79 = tpu.memref_squeeze %dma_wait3A_78 : memref<1x80x128xi32, #tpu.memory_space<hbm>> -> memref<80x128xi32, #tpu.memory_space<hbm>>
      tpu.wait_dma2 semaphore(%run_scoped3A_67 : memref<!tpu.dma_semaphore, #tpu.memory_space<semaphore_mem>>) src(%dma_wait3A_79 : memref<80x128xi32, #tpu.memory_space<hbm>>) dst(%arg5 : memref<80x128xi32, #tpu.memory_space<vmem>>)
      tpu.yield
    }) : () -> ()
    %mul3A_20 = arith.constant 80 : i32
    %mul3A_21 = arith.muli %add3A, %mul3A_20 : i32
    %run_scoped3A_22 = arith.constant 1 : i32
    "tpu.region"() ({
      %run_scoped3A_67 = tpu.sem_alloc : memref<!tpu.dma_semaphore, #tpu.memory_space<semaphore_mem>>
      %dma_start3A_68 = arith.constant 0 : i32
      %dma_start3A_69 = tpu.memref_slice %arg3[%run_scoped3A_22, %mul3A_21, %dma_start3A_68] : memref<2x2560x128xi32, #tpu.memory_space<hbm>> -> memref<1x40x128xi32, #tpu.memory_space<hbm>>
      %dma_start3A_70 = tpu.memref_squeeze %dma_start3A_69 : memref<1x40x128xi32, #tpu.memory_space<hbm>> -> memref<40x128xi32, #tpu.memory_space<hbm>>
      %dma_start3A_71 = arith.constant 0 : i32
      %dma_start3A_72 = tpu.memref_slice %arg3[%run_scoped3A_22, %mul3A_21, %dma_start3A_71] : memref<2x2560x128xi32, #tpu.memory_space<hbm>> -> memref<1x40x128xi32, #tpu.memory_space<hbm>>
      %dma_start3A_73 = tpu.memref_squeeze %dma_start3A_72 : memref<1x40x128xi32, #tpu.memory_space<hbm>> -> memref<40x128xi32, #tpu.memory_space<hbm>>
      tpu.enqueue_dma source(%dma_start3A_73 : memref<40x128xi32, #tpu.memory_space<hbm>>) target(%arg6 : memref<40x128xi32, #tpu.memory_space<vmem>>) target_semaphore(%run_scoped3A_67 : memref<!tpu.dma_semaphore, #tpu.memory_space<semaphore_mem>>)
      %dma_wait3A_74 = arith.constant 0 : i32
      %dma_wait3A_75 = tpu.memref_slice %arg3[%run_scoped3A_22, %mul3A_21, %dma_wait3A_74] : memref<2x2560x128xi32, #tpu.memory_space<hbm>> -> memref<1x40x128xi32, #tpu.memory_space<hbm>>
      %dma_wait3A_76 = tpu.memref_squeeze %dma_wait3A_75 : memref<1x40x128xi32, #tpu.memory_space<hbm>> -> memref<40x128xi32, #tpu.memory_space<hbm>>
      %dma_wait3A_77 = arith.constant 0 : i32
      %dma_wait3A_78 = tpu.memref_slice %arg3[%run_scoped3A_22, %mul3A_21, %dma_wait3A_77] : memref<2x2560x128xi32, #tpu.memory_space<hbm>> -> memref<1x40x128xi32, #tpu.memory_space<hbm>>
      %dma_wait3A_79 = tpu.memref_squeeze %dma_wait3A_78 : memref<1x40x128xi32, #tpu.memory_space<hbm>> -> memref<40x128xi32, #tpu.memory_space<hbm>>
      tpu.wait_dma2 semaphore(%run_scoped3A_67 : memref<!tpu.dma_semaphore, #tpu.memory_space<semaphore_mem>>) src(%dma_wait3A_79 : memref<40x128xi32, #tpu.memory_space<hbm>>) dst(%arg6 : memref<40x128xi32, #tpu.memory_space<vmem>>)
      tpu.yield
    }) : () -> ()
    %dma_start3A = arith.constant 0 : i32
    %dma_start3A_23 = arith.constant 0 : i32
    %dma_start3A_24 = tpu.memref_slice %arg5[%dma_start3A, %dma_start3A_23] : memref<80x128xi32, #tpu.memory_space<vmem>> -> memref<1x128xi32, #tpu.memory_space<vmem>>
    %dma_start3A_25 = tpu.memref_squeeze %dma_start3A_24 : memref<1x128xi32, #tpu.memory_space<vmem>> -> memref<128xi32, #tpu.memory_space<vmem>>
    %dma_start3A_26 = arith.constant 0 : i32
    %dma_start3A_27 = arith.constant 0 : i32
    %dma_start3A_28 = tpu.memref_slice %arg2[%dma_start3A_26, %dma_start3A_27] : memref<10240x128xf32, #tpu.memory_space<hbm>> -> memref<10240x128xf32, #tpu.memory_space<hbm>>
    tpu.enqueue_indirect_dma source(%dma_start3A_28 : memref<10240x128xf32, #tpu.memory_space<hbm>>) target(%arg7 : memref<128x128xf32, #tpu.memory_space<vmem>>) offsets(%dma_start3A_25 : memref<128xi32, #tpu.memory_space<vmem>>) semaphore(%arg10 : memref<!tpu.dma_semaphore, #tpu.memory_space<semaphore_mem>>)
    %dma_start3A_29 = arith.constant 1 : i32
    %dma_start3A_30 = arith.constant 0 : i32
    %dma_start3A_31 = tpu.memref_slice %arg5[%dma_start3A_29, %dma_start3A_30] : memref<80x128xi32, #tpu.memory_space<vmem>> -> memref<1x128xi32, #tpu.memory_space<vmem>>
    %dma_start3A_32 = tpu.memref_squeeze %dma_start3A_31 : memref<1x128xi32, #tpu.memory_space<vmem>> -> memref<128xi32, #tpu.memory_space<vmem>>
    %dma_start3A_33 = arith.constant 0 : i32
    %dma_start3A_34 = arith.constant 0 : i32
    %dma_start3A_35 = tpu.memref_slice %arg2[%dma_start3A_33, %dma_start3A_34] : memref<10240x128xf32, #tpu.memory_space<hbm>> -> memref<10240x128xf32, #tpu.memory_space<hbm>>
    tpu.enqueue_indirect_dma source(%dma_start3A_35 : memref<10240x128xf32, #tpu.memory_space<hbm>>) target(%arg8 : memref<128x128xf32, #tpu.memory_space<vmem>>) offsets(%dma_start3A_32 : memref<128xi32, #tpu.memory_space<vmem>>) semaphore(%arg11 : memref<!tpu.dma_semaphore, #tpu.memory_space<semaphore_mem>>)
    %scan3A_36 = arith.constant 0 : i32
    %scan3A_37 = arith.constant 0 : i32
    %scan3A_38 = arith.constant 20 : i32
    %scan3A_39 = arith.addi %scan3A_37, %scan3A_38 : i32
    %scan3A_40 = arith.constant 1 : i32
    scf.for %scan3A_67 = %scan3A_37 to %scan3A_39 step %scan3A_40  : i32 {
      %mul3A_68 = arith.constant 2 : i32
      %mul3A_69 = arith.muli %scan3A_67, %mul3A_68 : i32
      %add3A_70 = arith.constant 0 : i32
      %add3A_71 = arith.addi %mul3A_69, %add3A_70 : i32
      %add3A_72 = arith.constant 0 : i32
      %add3A_73 = arith.addi %add3A_72, %add3A_71 : i32
      %dma_wait3A_74 = arith.constant 0 : i32
      %dma_wait3A_75 = tpu.memref_slice %arg5[%add3A_73, %dma_wait3A_74] : memref<80x128xi32, #tpu.memory_space<vmem>> -> memref<1x128xi32, #tpu.memory_space<vmem>>
      %dma_wait3A_76 = tpu.memref_squeeze %dma_wait3A_75 : memref<1x128xi32, #tpu.memory_space<vmem>> -> memref<128xi32, #tpu.memory_space<vmem>>
      %dma_wait3A_77 = arith.constant 0 : i32
      %dma_wait3A_78 = arith.constant 0 : i32
      %dma_wait3A_79 = tpu.memref_slice %arg2[%dma_wait3A_77, %dma_wait3A_78] : memref<10240x128xf32, #tpu.memory_space<hbm>> -> memref<10240x128xf32, #tpu.memory_space<hbm>>
      tpu.wait_indirect_dma semaphore(%arg10 : memref<!tpu.dma_semaphore, #tpu.memory_space<semaphore_mem>>) src(%dma_wait3A_79 : memref<10240x128xf32, #tpu.memory_space<hbm>>) dst(%arg7 : memref<128x128xf32, #tpu.memory_space<vmem>>)
      "tpu.region"() ({
        %run_scoped3A_133 = tpu.sem_alloc : memref<!tpu.dma_semaphore, #tpu.memory_space<semaphore_mem>>
        %dma_start3A_134 = arith.constant 0 : i32
        %dma_start3A_135 = tpu.memref_slice %arg6[%add3A_71, %dma_start3A_134] : memref<40x128xi32, #tpu.memory_space<vmem>> -> memref<1x128xi32, #tpu.memory_space<vmem>>
        %dma_start3A_136 = tpu.memref_squeeze %dma_start3A_135 : memref<1x128xi32, #tpu.memory_space<vmem>> -> memref<128xi32, #tpu.memory_space<vmem>>
        %dma_start3A_137 = arith.constant 0 : i32
        %dma_start3A_138 = arith.constant 0 : i32
        %dma_start3A_139 = tpu.memref_slice %arg9[%dma_start3A_137, %dma_start3A_138] : memref<10240x128xf32, #tpu.memory_space<vmem_shared>> -> memref<10240x128xf32, #tpu.memory_space<vmem_shared>>
        tpu.enqueue_indirect_dma source(%arg7 : memref<128x128xf32, #tpu.memory_space<vmem>>) target(%dma_start3A_139 : memref<10240x128xf32, #tpu.memory_space<vmem_shared>>) offsets(%dma_start3A_136 : memref<128xi32, #tpu.memory_space<vmem>>) semaphore(%run_scoped3A_133 : memref<!tpu.dma_semaphore, #tpu.memory_space<semaphore_mem>>) {add = true}
        %dma_wait3A_140 = arith.constant 0 : i32
        %dma_wait3A_141 = tpu.memref_slice %arg6[%add3A_71, %dma_wait3A_140] : memref<40x128xi32, #tpu.memory_space<vmem>> -> memref<1x128xi32, #tpu.memory_space<vmem>>
        %dma_wait3A_142 = tpu.memref_squeeze %dma_wait3A_141 : memref<1x128xi32, #tpu.memory_space<vmem>> -> memref<128xi32, #tpu.memory_space<vmem>>
        %dma_wait3A_143 = arith.constant 0 : i32
        %dma_wait3A_144 = arith.constant 0 : i32
        %dma_wait3A_145 = tpu.memref_slice %arg9[%dma_wait3A_143, %dma_wait3A_144] : memref<10240x128xf32, #tpu.memory_space<vmem_shared>> -> memref<10240x128xf32, #tpu.memory_space<vmem_shared>>
        tpu.wait_indirect_dma semaphore(%run_scoped3A_133 : memref<!tpu.dma_semaphore, #tpu.memory_space<semaphore_mem>>) src(%arg7 : memref<128x128xf32, #tpu.memory_space<vmem>>) dst(%dma_wait3A_145 : memref<10240x128xf32, #tpu.memory_space<vmem_shared>>)
        tpu.yield
      }) : () -> ()
      %add3A_80 = arith.constant 2 : i32
      %add3A_81 = arith.addi %add3A_73, %add3A_80 : i32
      %jit3A = arith.constant 80 : i32
      %eq3A = arith.constant 0 : i32
      %eq3A_82 = arith.cmpi eq, %jit3A, %eq3A : i32
      %jit3A_83 = arith.constant 1 : i32
      %select_n3A = arith.select %eq3A_82, %jit3A_83, %jit3A : i32
      %rem3A = arith.remsi %add3A_81, %select_n3A : i32
      %ne3A = arith.constant 0 : i32
      %ne3A_84 = arith.cmpi ne, %rem3A, %ne3A : i32
      %lt3A = arith.constant 0 : i32
      %lt3A_85 = arith.cmpi slt, %rem3A, %lt3A : i32
      %lt3A_86 = arith.constant 0 : i32
      %lt3A_87 = arith.cmpi slt, %select_n3A, %lt3A_86 : i32
      %ne3A_88 = arith.xori %lt3A_85, %lt3A_87 : i1
      %and3A = arith.andi %ne3A_88, %ne3A_84 : i1
      %add3A_89 = arith.addi %rem3A, %select_n3A : i32
      %select_n3A_90 = arith.select %and3A, %add3A_89, %rem3A : i32
      %dma_start3A_91 = arith.constant 0 : i32
      %dma_start3A_92 = tpu.memref_slice %arg5[%select_n3A_90, %dma_start3A_91] : memref<80x128xi32, #tpu.memory_space<vmem>> -> memref<1x128xi32, #tpu.memory_space<vmem>>
      %dma_start3A_93 = tpu.memref_squeeze %dma_start3A_92 : memref<1x128xi32, #tpu.memory_space<vmem>> -> memref<128xi32, #tpu.memory_space<vmem>>
      %dma_start3A_94 = arith.constant 0 : i32
      %dma_start3A_95 = arith.constant 0 : i32
      %dma_start3A_96 = tpu.memref_slice %arg2[%dma_start3A_94, %dma_start3A_95] : memref<10240x128xf32, #tpu.memory_space<hbm>> -> memref<10240x128xf32, #tpu.memory_space<hbm>>
      tpu.enqueue_indirect_dma source(%dma_start3A_96 : memref<10240x128xf32, #tpu.memory_space<hbm>>) target(%arg7 : memref<128x128xf32, #tpu.memory_space<vmem>>) offsets(%dma_start3A_93 : memref<128xi32, #tpu.memory_space<vmem>>) semaphore(%arg10 : memref<!tpu.dma_semaphore, #tpu.memory_space<semaphore_mem>>)
      %mul3A_97 = arith.constant 2 : i32
      %mul3A_98 = arith.muli %scan3A_67, %mul3A_97 : i32
      %add3A_99 = arith.constant 1 : i32
      %add3A_100 = arith.addi %mul3A_98, %add3A_99 : i32
      %add3A_101 = arith.constant 0 : i32
      %add3A_102 = arith.addi %add3A_101, %add3A_100 : i32
      %dma_wait3A_103 = arith.constant 0 : i32
      %dma_wait3A_104 = tpu.memref_slice %arg5[%add3A_102, %dma_wait3A_103] : memref<80x128xi32, #tpu.memory_space<vmem>> -> memref<1x128xi32, #tpu.memory_space<vmem>>
      %dma_wait3A_105 = tpu.memref_squeeze %dma_wait3A_104 : memref<1x128xi32, #tpu.memory_space<vmem>> -> memref<128xi32, #tpu.memory_space<vmem>>
      %dma_wait3A_106 = arith.constant 0 : i32
      %dma_wait3A_107 = arith.constant 0 : i32
      %dma_wait3A_108 = tpu.memref_slice %arg2[%dma_wait3A_106, %dma_wait3A_107] : memref<10240x128xf32, #tpu.memory_space<hbm>> -> memref<10240x128xf32, #tpu.memory_space<hbm>>
      tpu.wait_indirect_dma semaphore(%arg11 : memref<!tpu.dma_semaphore, #tpu.memory_space<semaphore_mem>>) src(%dma_wait3A_108 : memref<10240x128xf32, #tpu.memory_space<hbm>>) dst(%arg8 : memref<128x128xf32, #tpu.memory_space<vmem>>)
      "tpu.region"() ({
        %run_scoped3A_133 = tpu.sem_alloc : memref<!tpu.dma_semaphore, #tpu.memory_space<semaphore_mem>>
        %dma_start3A_134 = arith.constant 0 : i32
        %dma_start3A_135 = tpu.memref_slice %arg6[%add3A_100, %dma_start3A_134] : memref<40x128xi32, #tpu.memory_space<vmem>> -> memref<1x128xi32, #tpu.memory_space<vmem>>
        %dma_start3A_136 = tpu.memref_squeeze %dma_start3A_135 : memref<1x128xi32, #tpu.memory_space<vmem>> -> memref<128xi32, #tpu.memory_space<vmem>>
        %dma_start3A_137 = arith.constant 0 : i32
        %dma_start3A_138 = arith.constant 0 : i32
        %dma_start3A_139 = tpu.memref_slice %arg9[%dma_start3A_137, %dma_start3A_138] : memref<10240x128xf32, #tpu.memory_space<vmem_shared>> -> memref<10240x128xf32, #tpu.memory_space<vmem_shared>>
        tpu.enqueue_indirect_dma source(%arg8 : memref<128x128xf32, #tpu.memory_space<vmem>>) target(%dma_start3A_139 : memref<10240x128xf32, #tpu.memory_space<vmem_shared>>) offsets(%dma_start3A_136 : memref<128xi32, #tpu.memory_space<vmem>>) semaphore(%run_scoped3A_133 : memref<!tpu.dma_semaphore, #tpu.memory_space<semaphore_mem>>) {add = true}
        %dma_wait3A_140 = arith.constant 0 : i32
        %dma_wait3A_141 = tpu.memref_slice %arg6[%add3A_100, %dma_wait3A_140] : memref<40x128xi32, #tpu.memory_space<vmem>> -> memref<1x128xi32, #tpu.memory_space<vmem>>
        %dma_wait3A_142 = tpu.memref_squeeze %dma_wait3A_141 : memref<1x128xi32, #tpu.memory_space<vmem>> -> memref<128xi32, #tpu.memory_space<vmem>>
        %dma_wait3A_143 = arith.constant 0 : i32
        %dma_wait3A_144 = arith.constant 0 : i32
        %dma_wait3A_145 = tpu.memref_slice %arg9[%dma_wait3A_143, %dma_wait3A_144] : memref<10240x128xf32, #tpu.memory_space<vmem_shared>> -> memref<10240x128xf32, #tpu.memory_space<vmem_shared>>
        tpu.wait_indirect_dma semaphore(%run_scoped3A_133 : memref<!tpu.dma_semaphore, #tpu.memory_space<semaphore_mem>>) src(%arg8 : memref<128x128xf32, #tpu.memory_space<vmem>>) dst(%dma_wait3A_145 : memref<10240x128xf32, #tpu.memory_space<vmem_shared>>)
        tpu.yield
      }) : () -> ()
      %add3A_109 = arith.constant 2 : i32
      %add3A_110 = arith.addi %add3A_102, %add3A_109 : i32
      %jit3A_111 = arith.constant 80 : i32
      %eq3A_112 = arith.constant 0 : i32
      %eq3A_113 = arith.cmpi eq, %jit3A_111, %eq3A_112 : i32
      %jit3A_114 = arith.constant 1 : i32
      %select_n3A_115 = arith.select %eq3A_113, %jit3A_114, %jit3A_111 : i32
      %rem3A_116 = arith.remsi %add3A_110, %select_n3A_115 : i32
      %ne3A_117 = arith.constant 0 : i32
      %ne3A_118 = arith.cmpi ne, %rem3A_116, %ne3A_117 : i32
      %lt3A_119 = arith.constant 0 : i32
      %lt3A_120 = arith.cmpi slt, %rem3A_116, %lt3A_119 : i32
      %lt3A_121 = arith.constant 0 : i32
      %lt3A_122 = arith.cmpi slt, %select_n3A_115, %lt3A_121 : i32
      %ne3A_123 = arith.xori %lt3A_120, %lt3A_122 : i1
      %and3A_124 = arith.andi %ne3A_123, %ne3A_118 : i1
      %add3A_125 = arith.addi %rem3A_116, %select_n3A_115 : i32
      %select_n3A_126 = arith.select %and3A_124, %add3A_125, %rem3A_116 : i32
      %dma_start3A_127 = arith.constant 0 : i32
      %dma_start3A_128 = tpu.memref_slice %arg5[%select_n3A_126, %dma_start3A_127] : memref<80x128xi32, #tpu.memory_space<vmem>> -> memref<1x128xi32, #tpu.memory_space<vmem>>
      %dma_start3A_129 = tpu.memref_squeeze %dma_start3A_128 : memref<1x128xi32, #tpu.memory_space<vmem>> -> memref<128xi32, #tpu.memory_space<vmem>>
      %dma_start3A_130 = arith.constant 0 : i32
      %dma_start3A_131 = arith.constant 0 : i32
      %dma_start3A_132 = tpu.memref_slice %arg2[%dma_start3A_130, %dma_start3A_131] : memref<10240x128xf32, #tpu.memory_space<hbm>> -> memref<10240x128xf32, #tpu.memory_space<hbm>>
      tpu.enqueue_indirect_dma source(%dma_start3A_132 : memref<10240x128xf32, #tpu.memory_space<hbm>>) target(%arg8 : memref<128x128xf32, #tpu.memory_space<vmem>>) offsets(%dma_start3A_129 : memref<128xi32, #tpu.memory_space<vmem>>) semaphore(%arg11 : memref<!tpu.dma_semaphore, #tpu.memory_space<semaphore_mem>>)
    }
    %scan3A_41 = arith.constant 20 : i32
    %mul3A_42 = arith.constant 80 : i32
    %mul3A_43 = arith.muli %add3A, %mul3A_42 : i32
    %add3A_44 = arith.constant 40 : i32
    %add3A_45 = arith.addi %mul3A_43, %add3A_44 : i32
    %run_scoped3A_46 = arith.constant 1 : i32
    "tpu.region"() ({
      %run_scoped3A_67 = tpu.sem_alloc : memref<!tpu.dma_semaphore, #tpu.memory_space<semaphore_mem>>
      %dma_start3A_68 = arith.constant 0 : i32
      %dma_start3A_69 = tpu.memref_slice %arg3[%run_scoped3A_46, %add3A_45, %dma_start3A_68] : memref<2x2560x128xi32, #tpu.memory_space<hbm>> -> memref<1x40x128xi32, #tpu.memory_space<hbm>>
      %dma_start3A_70 = tpu.memref_squeeze %dma_start3A_69 : memref<1x40x128xi32, #tpu.memory_space<hbm>> -> memref<40x128xi32, #tpu.memory_space<hbm>>
      %dma_start3A_71 = arith.constant 0 : i32
      %dma_start3A_72 = tpu.memref_slice %arg3[%run_scoped3A_46, %add3A_45, %dma_start3A_71] : memref<2x2560x128xi32, #tpu.memory_space<hbm>> -> memref<1x40x128xi32, #tpu.memory_space<hbm>>
      %dma_start3A_73 = tpu.memref_squeeze %dma_start3A_72 : memref<1x40x128xi32, #tpu.memory_space<hbm>> -> memref<40x128xi32, #tpu.memory_space<hbm>>
      tpu.enqueue_dma source(%dma_start3A_73 : memref<40x128xi32, #tpu.memory_space<hbm>>) target(%arg6 : memref<40x128xi32, #tpu.memory_space<vmem>>) target_semaphore(%run_scoped3A_67 : memref<!tpu.dma_semaphore, #tpu.memory_space<semaphore_mem>>)
      %dma_wait3A_74 = arith.constant 0 : i32
      %dma_wait3A_75 = tpu.memref_slice %arg3[%run_scoped3A_46, %add3A_45, %dma_wait3A_74] : memref<2x2560x128xi32, #tpu.memory_space<hbm>> -> memref<1x40x128xi32, #tpu.memory_space<hbm>>
      %dma_wait3A_76 = tpu.memref_squeeze %dma_wait3A_75 : memref<1x40x128xi32, #tpu.memory_space<hbm>> -> memref<40x128xi32, #tpu.memory_space<hbm>>
      %dma_wait3A_77 = arith.constant 0 : i32
      %dma_wait3A_78 = tpu.memref_slice %arg3[%run_scoped3A_46, %add3A_45, %dma_wait3A_77] : memref<2x2560x128xi32, #tpu.memory_space<hbm>> -> memref<1x40x128xi32, #tpu.memory_space<hbm>>
      %dma_wait3A_79 = tpu.memref_squeeze %dma_wait3A_78 : memref<1x40x128xi32, #tpu.memory_space<hbm>> -> memref<40x128xi32, #tpu.memory_space<hbm>>
      tpu.wait_dma2 semaphore(%run_scoped3A_67 : memref<!tpu.dma_semaphore, #tpu.memory_space<semaphore_mem>>) src(%dma_wait3A_79 : memref<40x128xi32, #tpu.memory_space<hbm>>) dst(%arg6 : memref<40x128xi32, #tpu.memory_space<vmem>>)
      tpu.yield
    }) : () -> ()
    %scan3A_47 = arith.constant 0 : i32
    %scan3A_48 = arith.constant 0 : i32
    %scan3A_49 = arith.constant 20 : i32
    %scan3A_50 = arith.addi %scan3A_48, %scan3A_49 : i32
    %scan3A_51 = arith.constant 1 : i32
    scf.for %scan3A_67 = %scan3A_48 to %scan3A_50 step %scan3A_51  : i32 {
      %mul3A_68 = arith.constant 2 : i32
      %mul3A_69 = arith.muli %scan3A_67, %mul3A_68 : i32
      %add3A_70 = arith.constant 0 : i32
      %add3A_71 = arith.addi %mul3A_69, %add3A_70 : i32
      %add3A_72 = arith.constant 40 : i32
      %add3A_73 = arith.addi %add3A_72, %add3A_71 : i32
      %dma_wait3A_74 = arith.constant 0 : i32
      %dma_wait3A_75 = tpu.memref_slice %arg5[%add3A_73, %dma_wait3A_74] : memref<80x128xi32, #tpu.memory_space<vmem>> -> memref<1x128xi32, #tpu.memory_space<vmem>>
      %dma_wait3A_76 = tpu.memref_squeeze %dma_wait3A_75 : memref<1x128xi32, #tpu.memory_space<vmem>> -> memref<128xi32, #tpu.memory_space<vmem>>
      %dma_wait3A_77 = arith.constant 0 : i32
      %dma_wait3A_78 = arith.constant 0 : i32
      %dma_wait3A_79 = tpu.memref_slice %arg2[%dma_wait3A_77, %dma_wait3A_78] : memref<10240x128xf32, #tpu.memory_space<hbm>> -> memref<10240x128xf32, #tpu.memory_space<hbm>>
      tpu.wait_indirect_dma semaphore(%arg10 : memref<!tpu.dma_semaphore, #tpu.memory_space<semaphore_mem>>) src(%dma_wait3A_79 : memref<10240x128xf32, #tpu.memory_space<hbm>>) dst(%arg7 : memref<128x128xf32, #tpu.memory_space<vmem>>)
      "tpu.region"() ({
        %run_scoped3A_133 = tpu.sem_alloc : memref<!tpu.dma_semaphore, #tpu.memory_space<semaphore_mem>>
        %dma_start3A_134 = arith.constant 0 : i32
        %dma_start3A_135 = tpu.memref_slice %arg6[%add3A_71, %dma_start3A_134] : memref<40x128xi32, #tpu.memory_space<vmem>> -> memref<1x128xi32, #tpu.memory_space<vmem>>
        %dma_start3A_136 = tpu.memref_squeeze %dma_start3A_135 : memref<1x128xi32, #tpu.memory_space<vmem>> -> memref<128xi32, #tpu.memory_space<vmem>>
        %dma_start3A_137 = arith.constant 0 : i32
        %dma_start3A_138 = arith.constant 0 : i32
        %dma_start3A_139 = tpu.memref_slice %arg9[%dma_start3A_137, %dma_start3A_138] : memref<10240x128xf32, #tpu.memory_space<vmem_shared>> -> memref<10240x128xf32, #tpu.memory_space<vmem_shared>>
        tpu.enqueue_indirect_dma source(%arg7 : memref<128x128xf32, #tpu.memory_space<vmem>>) target(%dma_start3A_139 : memref<10240x128xf32, #tpu.memory_space<vmem_shared>>) offsets(%dma_start3A_136 : memref<128xi32, #tpu.memory_space<vmem>>) semaphore(%run_scoped3A_133 : memref<!tpu.dma_semaphore, #tpu.memory_space<semaphore_mem>>) {add = true}
        %dma_wait3A_140 = arith.constant 0 : i32
        %dma_wait3A_141 = tpu.memref_slice %arg6[%add3A_71, %dma_wait3A_140] : memref<40x128xi32, #tpu.memory_space<vmem>> -> memref<1x128xi32, #tpu.memory_space<vmem>>
        %dma_wait3A_142 = tpu.memref_squeeze %dma_wait3A_141 : memref<1x128xi32, #tpu.memory_space<vmem>> -> memref<128xi32, #tpu.memory_space<vmem>>
        %dma_wait3A_143 = arith.constant 0 : i32
        %dma_wait3A_144 = arith.constant 0 : i32
        %dma_wait3A_145 = tpu.memref_slice %arg9[%dma_wait3A_143, %dma_wait3A_144] : memref<10240x128xf32, #tpu.memory_space<vmem_shared>> -> memref<10240x128xf32, #tpu.memory_space<vmem_shared>>
        tpu.wait_indirect_dma semaphore(%run_scoped3A_133 : memref<!tpu.dma_semaphore, #tpu.memory_space<semaphore_mem>>) src(%arg7 : memref<128x128xf32, #tpu.memory_space<vmem>>) dst(%dma_wait3A_145 : memref<10240x128xf32, #tpu.memory_space<vmem_shared>>)
        tpu.yield
      }) : () -> ()
      %add3A_80 = arith.constant 2 : i32
      %add3A_81 = arith.addi %add3A_73, %add3A_80 : i32
      %jit3A = arith.constant 80 : i32
      %eq3A = arith.constant 0 : i32
      %eq3A_82 = arith.cmpi eq, %jit3A, %eq3A : i32
      %jit3A_83 = arith.constant 1 : i32
      %select_n3A = arith.select %eq3A_82, %jit3A_83, %jit3A : i32
      %rem3A = arith.remsi %add3A_81, %select_n3A : i32
      %ne3A = arith.constant 0 : i32
      %ne3A_84 = arith.cmpi ne, %rem3A, %ne3A : i32
      %lt3A = arith.constant 0 : i32
      %lt3A_85 = arith.cmpi slt, %rem3A, %lt3A : i32
      %lt3A_86 = arith.constant 0 : i32
      %lt3A_87 = arith.cmpi slt, %select_n3A, %lt3A_86 : i32
      %ne3A_88 = arith.xori %lt3A_85, %lt3A_87 : i1
      %and3A = arith.andi %ne3A_88, %ne3A_84 : i1
      %add3A_89 = arith.addi %rem3A, %select_n3A : i32
      %select_n3A_90 = arith.select %and3A, %add3A_89, %rem3A : i32
      %dma_start3A_91 = arith.constant 0 : i32
      %dma_start3A_92 = tpu.memref_slice %arg5[%select_n3A_90, %dma_start3A_91] : memref<80x128xi32, #tpu.memory_space<vmem>> -> memref<1x128xi32, #tpu.memory_space<vmem>>
      %dma_start3A_93 = tpu.memref_squeeze %dma_start3A_92 : memref<1x128xi32, #tpu.memory_space<vmem>> -> memref<128xi32, #tpu.memory_space<vmem>>
      %dma_start3A_94 = arith.constant 0 : i32
      %dma_start3A_95 = arith.constant 0 : i32
      %dma_start3A_96 = tpu.memref_slice %arg2[%dma_start3A_94, %dma_start3A_95] : memref<10240x128xf32, #tpu.memory_space<hbm>> -> memref<10240x128xf32, #tpu.memory_space<hbm>>
      tpu.enqueue_indirect_dma source(%dma_start3A_96 : memref<10240x128xf32, #tpu.memory_space<hbm>>) target(%arg7 : memref<128x128xf32, #tpu.memory_space<vmem>>) offsets(%dma_start3A_93 : memref<128xi32, #tpu.memory_space<vmem>>) semaphore(%arg10 : memref<!tpu.dma_semaphore, #tpu.memory_space<semaphore_mem>>)
      %mul3A_97 = arith.constant 2 : i32
      %mul3A_98 = arith.muli %scan3A_67, %mul3A_97 : i32
      %add3A_99 = arith.constant 1 : i32
      %add3A_100 = arith.addi %mul3A_98, %add3A_99 : i32
      %add3A_101 = arith.constant 40 : i32
      %add3A_102 = arith.addi %add3A_101, %add3A_100 : i32
      %dma_wait3A_103 = arith.constant 0 : i32
      %dma_wait3A_104 = tpu.memref_slice %arg5[%add3A_102, %dma_wait3A_103] : memref<80x128xi32, #tpu.memory_space<vmem>> -> memref<1x128xi32, #tpu.memory_space<vmem>>
      %dma_wait3A_105 = tpu.memref_squeeze %dma_wait3A_104 : memref<1x128xi32, #tpu.memory_space<vmem>> -> memref<128xi32, #tpu.memory_space<vmem>>
      %dma_wait3A_106 = arith.constant 0 : i32
      %dma_wait3A_107 = arith.constant 0 : i32
      %dma_wait3A_108 = tpu.memref_slice %arg2[%dma_wait3A_106, %dma_wait3A_107] : memref<10240x128xf32, #tpu.memory_space<hbm>> -> memref<10240x128xf32, #tpu.memory_space<hbm>>
      tpu.wait_indirect_dma semaphore(%arg11 : memref<!tpu.dma_semaphore, #tpu.memory_space<semaphore_mem>>) src(%dma_wait3A_108 : memref<10240x128xf32, #tpu.memory_space<hbm>>) dst(%arg8 : memref<128x128xf32, #tpu.memory_space<vmem>>)
      "tpu.region"() ({
        %run_scoped3A_133 = tpu.sem_alloc : memref<!tpu.dma_semaphore, #tpu.memory_space<semaphore_mem>>
        %dma_start3A_134 = arith.constant 0 : i32
        %dma_start3A_135 = tpu.memref_slice %arg6[%add3A_100, %dma_start3A_134] : memref<40x128xi32, #tpu.memory_space<vmem>> -> memref<1x128xi32, #tpu.memory_space<vmem>>
        %dma_start3A_136 = tpu.memref_squeeze %dma_start3A_135 : memref<1x128xi32, #tpu.memory_space<vmem>> -> memref<128xi32, #tpu.memory_space<vmem>>
        %dma_start3A_137 = arith.constant 0 : i32
        %dma_start3A_138 = arith.constant 0 : i32
        %dma_start3A_139 = tpu.memref_slice %arg9[%dma_start3A_137, %dma_start3A_138] : memref<10240x128xf32, #tpu.memory_space<vmem_shared>> -> memref<10240x128xf32, #tpu.memory_space<vmem_shared>>
        tpu.enqueue_indirect_dma source(%arg8 : memref<128x128xf32, #tpu.memory_space<vmem>>) target(%dma_start3A_139 : memref<10240x128xf32, #tpu.memory_space<vmem_shared>>) offsets(%dma_start3A_136 : memref<128xi32, #tpu.memory_space<vmem>>) semaphore(%run_scoped3A_133 : memref<!tpu.dma_semaphore, #tpu.memory_space<semaphore_mem>>) {add = true}
        %dma_wait3A_140 = arith.constant 0 : i32
        %dma_wait3A_141 = tpu.memref_slice %arg6[%add3A_100, %dma_wait3A_140] : memref<40x128xi32, #tpu.memory_space<vmem>> -> memref<1x128xi32, #tpu.memory_space<vmem>>
        %dma_wait3A_142 = tpu.memref_squeeze %dma_wait3A_141 : memref<1x128xi32, #tpu.memory_space<vmem>> -> memref<128xi32, #tpu.memory_space<vmem>>
        %dma_wait3A_143 = arith.constant 0 : i32
        %dma_wait3A_144 = arith.constant 0 : i32
        %dma_wait3A_145 = tpu.memref_slice %arg9[%dma_wait3A_143, %dma_wait3A_144] : memref<10240x128xf32, #tpu.memory_space<vmem_shared>> -> memref<10240x128xf32, #tpu.memory_space<vmem_shared>>
        tpu.wait_indirect_dma semaphore(%run_scoped3A_133 : memref<!tpu.dma_semaphore, #tpu.memory_space<semaphore_mem>>) src(%arg8 : memref<128x128xf32, #tpu.memory_space<vmem>>) dst(%dma_wait3A_145 : memref<10240x128xf32, #tpu.memory_space<vmem_shared>>)
        tpu.yield
      }) : () -> ()
      %add3A_109 = arith.constant 2 : i32
      %add3A_110 = arith.addi %add3A_102, %add3A_109 : i32
      %jit3A_111 = arith.constant 80 : i32
      %eq3A_112 = arith.constant 0 : i32
      %eq3A_113 = arith.cmpi eq, %jit3A_111, %eq3A_112 : i32
      %jit3A_114 = arith.constant 1 : i32
      %select_n3A_115 = arith.select %eq3A_113, %jit3A_114, %jit3A_111 : i32
      %rem3A_116 = arith.remsi %add3A_110, %select_n3A_115 : i32
      %ne3A_117 = arith.constant 0 : i32
      %ne3A_118 = arith.cmpi ne, %rem3A_116, %ne3A_117 : i32
      %lt3A_119 = arith.constant 0 : i32
      %lt3A_120 = arith.cmpi slt, %rem3A_116, %lt3A_119 : i32
      %lt3A_121 = arith.constant 0 : i32
      %lt3A_122 = arith.cmpi slt, %select_n3A_115, %lt3A_121 : i32
      %ne3A_123 = arith.xori %lt3A_120, %lt3A_122 : i1
      %and3A_124 = arith.andi %ne3A_123, %ne3A_118 : i1
      %add3A_125 = arith.addi %rem3A_116, %select_n3A_115 : i32
      %select_n3A_126 = arith.select %and3A_124, %add3A_125, %rem3A_116 : i32
      %dma_start3A_127 = arith.constant 0 : i32
      %dma_start3A_128 = tpu.memref_slice %arg5[%select_n3A_126, %dma_start3A_127] : memref<80x128xi32, #tpu.memory_space<vmem>> -> memref<1x128xi32, #tpu.memory_space<vmem>>
      %dma_start3A_129 = tpu.memref_squeeze %dma_start3A_128 : memref<1x128xi32, #tpu.memory_space<vmem>> -> memref<128xi32, #tpu.memory_space<vmem>>
      %dma_start3A_130 = arith.constant 0 : i32
      %dma_start3A_131 = arith.constant 0 : i32
      %dma_start3A_132 = tpu.memref_slice %arg2[%dma_start3A_130, %dma_start3A_131] : memref<10240x128xf32, #tpu.memory_space<hbm>> -> memref<10240x128xf32, #tpu.memory_space<hbm>>
      tpu.enqueue_indirect_dma source(%dma_start3A_132 : memref<10240x128xf32, #tpu.memory_space<hbm>>) target(%arg8 : memref<128x128xf32, #tpu.memory_space<vmem>>) offsets(%dma_start3A_129 : memref<128xi32, #tpu.memory_space<vmem>>) semaphore(%arg11 : memref<!tpu.dma_semaphore, #tpu.memory_space<semaphore_mem>>)
    }
    %scan3A_52 = arith.constant 20 : i32
    %dma_wait3A = arith.constant 0 : i32
    %dma_wait3A_53 = arith.constant 0 : i32
    %dma_wait3A_54 = tpu.memref_slice %arg5[%dma_wait3A, %dma_wait3A_53] : memref<80x128xi32, #tpu.memory_space<vmem>> -> memref<1x128xi32, #tpu.memory_space<vmem>>
    %dma_wait3A_55 = tpu.memref_squeeze %dma_wait3A_54 : memref<1x128xi32, #tpu.memory_space<vmem>> -> memref<128xi32, #tpu.memory_space<vmem>>
    %dma_wait3A_56 = arith.constant 0 : i32
    %dma_wait3A_57 = arith.constant 0 : i32
    %dma_wait3A_58 = tpu.memref_slice %arg2[%dma_wait3A_56, %dma_wait3A_57] : memref<10240x128xf32, #tpu.memory_space<hbm>> -> memref<10240x128xf32, #tpu.memory_space<hbm>>
    tpu.wait_indirect_dma semaphore(%arg10 : memref<!tpu.dma_semaphore, #tpu.memory_space<semaphore_mem>>) src(%dma_wait3A_58 : memref<10240x128xf32, #tpu.memory_space<hbm>>) dst(%arg7 : memref<128x128xf32, #tpu.memory_space<vmem>>)
    %dma_wait3A_59 = arith.constant 1 : i32
    %dma_wait3A_60 = arith.constant 0 : i32
    %dma_wait3A_61 = tpu.memref_slice %arg5[%dma_wait3A_59, %dma_wait3A_60] : memref<80x128xi32, #tpu.memory_space<vmem>> -> memref<1x128xi32, #tpu.memory_space<vmem>>
    %dma_wait3A_62 = tpu.memref_squeeze %dma_wait3A_61 : memref<1x128xi32, #tpu.memory_space<vmem>> -> memref<128xi32, #tpu.memory_space<vmem>>
    %dma_wait3A_63 = arith.constant 0 : i32
    %dma_wait3A_64 = arith.constant 0 : i32
    %dma_wait3A_65 = tpu.memref_slice %arg2[%dma_wait3A_63, %dma_wait3A_64] : memref<10240x128xf32, #tpu.memory_space<hbm>> -> memref<10240x128xf32, #tpu.memory_space<hbm>>
    tpu.wait_indirect_dma semaphore(%arg11 : memref<!tpu.dma_semaphore, #tpu.memory_space<semaphore_mem>>) src(%dma_wait3A_65 : memref<10240x128xf32, #tpu.memory_space<hbm>>) dst(%arg8 : memref<128x128xf32, #tpu.memory_space<vmem>>)
    %barrier3A_66 = arith.constant 0 : index
    tpu.barrier barrier_id(%barrier3A_66)
    "tpu.region"() ({
      %run_scoped3A_67 = tpu.sem_alloc : memref<!tpu.dma_semaphore, #tpu.memory_space<semaphore_mem>>
      %dma_start3A_68 = arith.constant 0 : i32
      %dma_start3A_69 = tpu.memref_slice %arg4[%arg0, %mul3A_7, %dma_start3A_68] : memref<2x10240x128xf32, #tpu.memory_space<hbm>> -> memref<1x640x128xf32, #tpu.memory_space<hbm>>
      %dma_start3A_70 = tpu.memref_squeeze %dma_start3A_69 : memref<1x640x128xf32, #tpu.memory_space<hbm>> -> memref<640x128xf32, #tpu.memory_space<hbm>>
      %dma_start3A_71 = arith.constant 0 : i32
      %dma_start3A_72 = tpu.memref_slice %arg9[%mul3A_7, %dma_start3A_71] : memref<10240x128xf32, #tpu.memory_space<vmem_shared>> -> memref<640x128xf32, #tpu.memory_space<vmem_shared>>
      tpu.enqueue_dma source(%dma_start3A_72 : memref<640x128xf32, #tpu.memory_space<vmem_shared>>) target(%dma_start3A_70 : memref<640x128xf32, #tpu.memory_space<hbm>>) target_semaphore(%run_scoped3A_67 : memref<!tpu.dma_semaphore, #tpu.memory_space<semaphore_mem>>)
      %dma_wait3A_73 = arith.constant 0 : i32
      %dma_wait3A_74 = tpu.memref_slice %arg4[%arg0, %mul3A_7, %dma_wait3A_73] : memref<2x10240x128xf32, #tpu.memory_space<hbm>> -> memref<1x640x128xf32, #tpu.memory_space<hbm>>
      %dma_wait3A_75 = tpu.memref_squeeze %dma_wait3A_74 : memref<1x640x128xf32, #tpu.memory_space<hbm>> -> memref<640x128xf32, #tpu.memory_space<hbm>>
      %dma_wait3A_76 = arith.constant 0 : i32
      %dma_wait3A_77 = tpu.memref_slice %arg9[%mul3A_7, %dma_wait3A_76] : memref<10240x128xf32, #tpu.memory_space<vmem_shared>> -> memref<640x128xf32, #tpu.memory_space<vmem_shared>>
      tpu.wait_dma2 semaphore(%run_scoped3A_67 : memref<!tpu.dma_semaphore, #tpu.memory_space<semaphore_mem>>) src(%dma_wait3A_77 : memref<640x128xf32, #tpu.memory_space<vmem_shared>>) dst(%dma_wait3A_75 : memref<640x128xf32, #tpu.memory_space<hbm>>)
      tpu.yield
    }) : () -> ()
    return
  }
}

#map = affine_map<(d0, d1) -> (0, 0, 0)>
module attributes {stable_mosaic.version = 14 : i64} {
  func.func @_deg_kernel(%arg0: i32, %arg1: i32, %arg2: memref<2x2560x128xi32, #tpu.memory_space<hbm>>, %arg3: memref<2x16x10240xf32, #tpu.memory_space<hbm>>, %arg4: memref<80x128xi32, #tpu.memory_space<vmem>>, %arg5: memref<10240xf32, #tpu.memory_space<vmem>>) attributes {dimension_semantics = [#tpu.dimension_semantics<core_parallel>, #tpu.dimension_semantics<subcore_parallel>], iteration_bounds = array<i64: 2, 16>, scalar_prefetch = 0 : i64, scratch_operands = 2 : i64, tpu.core_type = #tpu.core_type<sc_vector_subcore>, window_params = [{transform_indices = #map}, {transform_indices = #map}]} {
    %mul3A = arith.constant 16 : i32
    %mul3A_0 = arith.muli %arg0, %mul3A : i32
    %add3A = arith.addi %mul3A_0, %arg1 : i32
    %mul3A_1 = arith.constant 80 : i32
    %mul3A_2 = arith.muli %add3A, %mul3A_1 : i32
    %run_scoped3A = arith.constant 1 : i32
    "tpu.region"() ({
      %run_scoped3A_15 = tpu.sem_alloc : memref<!tpu.dma_semaphore, #tpu.memory_space<semaphore_mem>>
      %dma_start3A = arith.constant 0 : i32
      %dma_start3A_16 = tpu.memref_slice %arg2[%run_scoped3A, %mul3A_2, %dma_start3A] : memref<2x2560x128xi32, #tpu.memory_space<hbm>> -> memref<1x80x128xi32, #tpu.memory_space<hbm>>
      %dma_start3A_17 = tpu.memref_squeeze %dma_start3A_16 : memref<1x80x128xi32, #tpu.memory_space<hbm>> -> memref<80x128xi32, #tpu.memory_space<hbm>>
      %dma_start3A_18 = arith.constant 0 : i32
      %dma_start3A_19 = tpu.memref_slice %arg2[%run_scoped3A, %mul3A_2, %dma_start3A_18] : memref<2x2560x128xi32, #tpu.memory_space<hbm>> -> memref<1x80x128xi32, #tpu.memory_space<hbm>>
      %dma_start3A_20 = tpu.memref_squeeze %dma_start3A_19 : memref<1x80x128xi32, #tpu.memory_space<hbm>> -> memref<80x128xi32, #tpu.memory_space<hbm>>
      tpu.enqueue_dma source(%dma_start3A_20 : memref<80x128xi32, #tpu.memory_space<hbm>>) target(%arg4 : memref<80x128xi32, #tpu.memory_space<vmem>>) target_semaphore(%run_scoped3A_15 : memref<!tpu.dma_semaphore, #tpu.memory_space<semaphore_mem>>)
      %dma_wait3A = arith.constant 0 : i32
      %dma_wait3A_21 = tpu.memref_slice %arg2[%run_scoped3A, %mul3A_2, %dma_wait3A] : memref<2x2560x128xi32, #tpu.memory_space<hbm>> -> memref<1x80x128xi32, #tpu.memory_space<hbm>>
      %dma_wait3A_22 = tpu.memref_squeeze %dma_wait3A_21 : memref<1x80x128xi32, #tpu.memory_space<hbm>> -> memref<80x128xi32, #tpu.memory_space<hbm>>
      %dma_wait3A_23 = arith.constant 0 : i32
      %dma_wait3A_24 = tpu.memref_slice %arg2[%run_scoped3A, %mul3A_2, %dma_wait3A_23] : memref<2x2560x128xi32, #tpu.memory_space<hbm>> -> memref<1x80x128xi32, #tpu.memory_space<hbm>>
      %dma_wait3A_25 = tpu.memref_squeeze %dma_wait3A_24 : memref<1x80x128xi32, #tpu.memory_space<hbm>> -> memref<80x128xi32, #tpu.memory_space<hbm>>
      tpu.wait_dma2 semaphore(%run_scoped3A_15 : memref<!tpu.dma_semaphore, #tpu.memory_space<semaphore_mem>>) src(%dma_wait3A_25 : memref<80x128xi32, #tpu.memory_space<hbm>>) dst(%arg4 : memref<80x128xi32, #tpu.memory_space<vmem>>)
      tpu.yield
    }) : () -> ()
    %scan3A = arith.constant 0 : i32
    %scan3A_3 = arith.constant 0 : i32
    %scan3A_4 = arith.constant 640 : i32
    %scan3A_5 = arith.addi %scan3A_3, %scan3A_4 : i32
    %scan3A_6 = arith.constant 1 : i32
    scf.for %scan3A_15 = %scan3A_3 to %scan3A_5 step %scan3A_6  : i32 {
      %broadcast_in_dim3A_16 = arith.constant 0.000000e+00 : f32
      %broadcast_in_dim3A_17 = vector.broadcast %broadcast_in_dim3A_16 : f32 to vector<16xf32>
      %mul3A_18 = arith.constant 16 : i32
      %mul3A_19 = arith.muli %scan3A_15, %mul3A_18 : i32
      %swap3A = arith.index_cast %mul3A_19 : i32 to index
      %swap3A_20 = tpu.vector_load %arg5[%swap3A] {strides = array<i32>} : memref<10240xf32, #tpu.memory_space<vmem>>, vector<16xf32>,
      tpu.vector_store %arg5[%swap3A], %broadcast_in_dim3A_17 {strides = array<i32>} : memref<10240xf32, #tpu.memory_space<vmem>>, vector<16xf32>,
    }
    %scan3A_7 = arith.constant 640 : i32
    %broadcast_in_dim3A = arith.constant 1.000000e+00 : f32
    %broadcast_in_dim3A_8 = vector.broadcast %broadcast_in_dim3A : f32 to vector<16xf32>
    %scan3A_9 = arith.constant 0 : i32
    %scan3A_10 = arith.constant 0 : i32
    %scan3A_11 = arith.constant 80 : i32
    %scan3A_12 = arith.addi %scan3A_10, %scan3A_11 : i32
    %scan3A_13 = arith.constant 1 : i32
    scf.for %scan3A_15 = %scan3A_10 to %scan3A_12 step %scan3A_13  : i32 {
      %get3A = arith.index_cast %scan3A_15 : i32 to index
      %get3A_16 = arith.constant 0 : index
      %get3A_17 = tpu.vector_load %arg4[%get3A, %get3A_16] {strides = array<i32>} : memref<80x128xi32, #tpu.memory_space<vmem>>, vector<16xi32>,
      tpu.vector_store_idx %arg5[%get3A_17], %broadcast_in_dim3A_8 {add = true} : memref<10240xf32, #tpu.memory_space<vmem>>[vector<16xi32>], vector<16xf32>,
      %get3A_18 = arith.index_cast %scan3A_15 : i32 to index
      %get3A_19 = arith.constant 16 : index
      %get3A_20 = tpu.vector_load %arg4[%get3A_18, %get3A_19] {strides = array<i32>} : memref<80x128xi32, #tpu.memory_space<vmem>>, vector<16xi32>,
      tpu.vector_store_idx %arg5[%get3A_20], %broadcast_in_dim3A_8 {add = true} : memref<10240xf32, #tpu.memory_space<vmem>>[vector<16xi32>], vector<16xf32>,
      %get3A_21 = arith.index_cast %scan3A_15 : i32 to index
      %get3A_22 = arith.constant 32 : index
      %get3A_23 = tpu.vector_load %arg4[%get3A_21, %get3A_22] {strides = array<i32>} : memref<80x128xi32, #tpu.memory_space<vmem>>, vector<16xi32>,
      tpu.vector_store_idx %arg5[%get3A_23], %broadcast_in_dim3A_8 {add = true} : memref<10240xf32, #tpu.memory_space<vmem>>[vector<16xi32>], vector<16xf32>,
      %get3A_24 = arith.index_cast %scan3A_15 : i32 to index
      %get3A_25 = arith.constant 48 : index
      %get3A_26 = tpu.vector_load %arg4[%get3A_24, %get3A_25] {strides = array<i32>} : memref<80x128xi32, #tpu.memory_space<vmem>>, vector<16xi32>,
      tpu.vector_store_idx %arg5[%get3A_26], %broadcast_in_dim3A_8 {add = true} : memref<10240xf32, #tpu.memory_space<vmem>>[vector<16xi32>], vector<16xf32>,
      %get3A_27 = arith.index_cast %scan3A_15 : i32 to index
      %get3A_28 = arith.constant 64 : index
      %get3A_29 = tpu.vector_load %arg4[%get3A_27, %get3A_28] {strides = array<i32>} : memref<80x128xi32, #tpu.memory_space<vmem>>, vector<16xi32>,
      tpu.vector_store_idx %arg5[%get3A_29], %broadcast_in_dim3A_8 {add = true} : memref<10240xf32, #tpu.memory_space<vmem>>[vector<16xi32>], vector<16xf32>,
      %get3A_30 = arith.index_cast %scan3A_15 : i32 to index
      %get3A_31 = arith.constant 80 : index
      %get3A_32 = tpu.vector_load %arg4[%get3A_30, %get3A_31] {strides = array<i32>} : memref<80x128xi32, #tpu.memory_space<vmem>>, vector<16xi32>,
      tpu.vector_store_idx %arg5[%get3A_32], %broadcast_in_dim3A_8 {add = true} : memref<10240xf32, #tpu.memory_space<vmem>>[vector<16xi32>], vector<16xf32>,
      %get3A_33 = arith.index_cast %scan3A_15 : i32 to index
      %get3A_34 = arith.constant 96 : index
      %get3A_35 = tpu.vector_load %arg4[%get3A_33, %get3A_34] {strides = array<i32>} : memref<80x128xi32, #tpu.memory_space<vmem>>, vector<16xi32>,
      tpu.vector_store_idx %arg5[%get3A_35], %broadcast_in_dim3A_8 {add = true} : memref<10240xf32, #tpu.memory_space<vmem>>[vector<16xi32>], vector<16xf32>,
      %get3A_36 = arith.index_cast %scan3A_15 : i32 to index
      %get3A_37 = arith.constant 112 : index
      %get3A_38 = tpu.vector_load %arg4[%get3A_36, %get3A_37] {strides = array<i32>} : memref<80x128xi32, #tpu.memory_space<vmem>>, vector<16xi32>,
      tpu.vector_store_idx %arg5[%get3A_38], %broadcast_in_dim3A_8 {add = true} : memref<10240xf32, #tpu.memory_space<vmem>>[vector<16xi32>], vector<16xf32>,
    }
    %scan3A_14 = arith.constant 80 : i32
    "tpu.region"() ({
      %run_scoped3A_15 = tpu.sem_alloc : memref<!tpu.dma_semaphore, #tpu.memory_space<semaphore_mem>>
      %dma_start3A = arith.constant 0 : i32
      %dma_start3A_16 = tpu.memref_slice %arg3[%arg0, %arg1, %dma_start3A] : memref<2x16x10240xf32, #tpu.memory_space<hbm>> -> memref<1x1x10240xf32, #tpu.memory_space<hbm>>
      %dma_start3A_17 = tpu.memref_squeeze %dma_start3A_16 : memref<1x1x10240xf32, #tpu.memory_space<hbm>> -> memref<10240xf32, #tpu.memory_space<hbm>>
      %dma_start3A_18 = arith.constant 0 : i32
      %dma_start3A_19 = tpu.memref_slice %arg3[%arg0, %arg1, %dma_start3A_18] : memref<2x16x10240xf32, #tpu.memory_space<hbm>> -> memref<1x1x10240xf32, #tpu.memory_space<hbm>>
      %dma_start3A_20 = tpu.memref_squeeze %dma_start3A_19 : memref<1x1x10240xf32, #tpu.memory_space<hbm>> -> memref<10240xf32, #tpu.memory_space<hbm>>
      tpu.enqueue_dma source(%arg5 : memref<10240xf32, #tpu.memory_space<vmem>>) target(%dma_start3A_20 : memref<10240xf32, #tpu.memory_space<hbm>>) target_semaphore(%run_scoped3A_15 : memref<!tpu.dma_semaphore, #tpu.memory_space<semaphore_mem>>)
      %dma_wait3A = arith.constant 0 : i32
      %dma_wait3A_21 = tpu.memref_slice %arg3[%arg0, %arg1, %dma_wait3A] : memref<2x16x10240xf32, #tpu.memory_space<hbm>> -> memref<1x1x10240xf32, #tpu.memory_space<hbm>>
      %dma_wait3A_22 = tpu.memref_squeeze %dma_wait3A_21 : memref<1x1x10240xf32, #tpu.memory_space<hbm>> -> memref<10240xf32, #tpu.memory_space<hbm>>
      %dma_wait3A_23 = arith.constant 0 : i32
      %dma_wait3A_24 = tpu.memref_slice %arg3[%arg0, %arg1, %dma_wait3A_23] : memref<2x16x10240xf32, #tpu.memory_space<hbm>> -> memref<1x1x10240xf32, #tpu.memory_space<hbm>>
      %dma_wait3A_25 = tpu.memref_squeeze %dma_wait3A_24 : memref<1x1x10240xf32, #tpu.memory_space<hbm>> -> memref<10240xf32, #tpu.memory_space<hbm>>
      tpu.wait_dma2 semaphore(%run_scoped3A_15 : memref<!tpu.dma_semaphore, #tpu.memory_space<semaphore_mem>>) src(%arg5 : memref<10240xf32, #tpu.memory_space<vmem>>) dst(%dma_wait3A_25 : memref<10240xf32, #tpu.memory_space<hbm>>)
      tpu.yield
    }) : () -> ()
    return
  }
}

module attributes {stable_mosaic.version = 14 : i64} {
  func.func @_scale_body(%arg0: memref<2x16x10240xf32, #tpu.memory_space<vmem>>, %arg1: memref<10000x128xf32, #tpu.memory_space<vmem>>, %arg2: memref<10240x128xf32, #tpu.memory_space<vmem>>) attributes {dimension_semantics = [], scalar_prefetch = 0 : i64, scratch_operands = 0 : i64, tpu.core_type = #tpu.core_type<tc>} {
    %get3A = arith.constant 0 : index
    %get3A_0 = arith.constant 0 : index
    %get3A_1 = arith.constant 0 : index
    %get3A_2 = vector.load %arg0[%get3A, %get3A_0, %get3A_1] : memref<2x16x10240xf32, #tpu.memory_space<vmem>>, vector<1x16x10000xf32>
    %get3A_3 = vector.shape_cast %get3A_2 : vector<1x16x10000xf32> to vector<16x10000xf32>
    %reduce_sum3A = arith.constant dense<0.000000e+00> : vector<10000xf32>
    %reduce_sum3A_4 = vector.multi_reduction <add>, %get3A_3, %reduce_sum3A [0] : vector<16x10000xf32> to vector<10000xf32>
    %get3A_5 = arith.constant 1 : index
    %get3A_6 = arith.constant 0 : index
    %get3A_7 = arith.constant 0 : index
    %get3A_8 = vector.load %arg0[%get3A_5, %get3A_6, %get3A_7] : memref<2x16x10240xf32, #tpu.memory_space<vmem>>, vector<1x16x10000xf32>
    %get3A_9 = vector.shape_cast %get3A_8 : vector<1x16x10000xf32> to vector<16x10000xf32>
    %reduce_sum3A_10 = arith.constant dense<0.000000e+00> : vector<10000xf32>
    %reduce_sum3A_11 = vector.multi_reduction <add>, %get3A_9, %reduce_sum3A_10 [0] : vector<16x10000xf32> to vector<10000xf32>
    %add3A = arith.addf %reduce_sum3A_4, %reduce_sum3A_11 : vector<10000xf32>
    %add3A_12 = arith.constant 1.000000e+00 : f32
    %add3A_13 = vector.broadcast %add3A_12 : f32 to vector<10000xf32>
    %add3A_14 = arith.addf %add3A, %add3A_13 : vector<10000xf32>
    %rsqrt3A = math.rsqrt %add3A_14 : vector<10000xf32>
    %broadcast_in_dim3A = vector.shape_cast %rsqrt3A : vector<10000xf32> to vector<10000x1xf32>
    %get3A_15 = arith.constant 0 : index
    %get3A_16 = arith.constant 0 : index
    %get3A_17 = vector.load %arg1[%get3A_15, %get3A_16] : memref<10000x128xf32, #tpu.memory_space<vmem>>, vector<10000x128xf32>
    %mul3A = vector.broadcast %broadcast_in_dim3A : vector<10000x1xf32> to vector<10000x128xf32>
    %mul3A_18 = arith.mulf %get3A_17, %mul3A : vector<10000x128xf32>
    %swap3A = arith.constant 0 : index
    %swap3A_19 = arith.constant 0 : index
    %swap3A_20 = vector.load %arg2[%swap3A, %swap3A_19] : memref<10240x128xf32, #tpu.memory_space<vmem>>, vector<10000x128xf32>
    tpu.vector_store %arg2[%swap3A, %swap3A_19], %mul3A_18 {strides = array<i32>} : memref<10240x128xf32, #tpu.memory_space<vmem>>, vector<10000x128xf32>,
    %broadcast_in_dim3A_21 = arith.constant 0.000000e+00 : f32
    %broadcast_in_dim3A_22 = vector.broadcast %broadcast_in_dim3A_21 : f32 to vector<240x128xf32>
    %swap3A_23 = arith.constant 10000 : index
    %swap3A_24 = arith.constant 0 : index
    %swap3A_25 = vector.load %arg2[%swap3A_23, %swap3A_24] : memref<10240x128xf32, #tpu.memory_space<vmem>>, vector<240x128xf32>
    tpu.vector_store %arg2[%swap3A_23, %swap3A_24], %broadcast_in_dim3A_22 {strides = array<i32>} : memref<10240x128xf32, #tpu.memory_space<vmem>>, vector<240x128xf32>,
    return
  }
}

module attributes {stable_mosaic.version = 14 : i64} {
  func.func @_out_body(%arg0: memref<2x10240x128xf32, #tpu.memory_space<vmem>>, %arg1: memref<2x16x10240xf32, #tpu.memory_space<vmem>>, %arg2: memref<10000x128xf32, #tpu.memory_space<vmem>>, %arg3: memref<128x128xf32, #tpu.memory_space<vmem>>, %arg4: memref<1x128xf32, #tpu.memory_space<vmem>>, %arg5: memref<128x128xf32, #tpu.memory_space<vmem>>, %arg6: memref<1x128xf32, #tpu.memory_space<vmem>>, %arg7: memref<10000x128xf32, #tpu.memory_space<vmem>>, %arg8: memref<10000x128xf32, #tpu.memory_space<vmem>>) attributes {dimension_semantics = [], scalar_prefetch = 0 : i64, scratch_operands = 0 : i64, tpu.core_type = #tpu.core_type<tc>} {
    %get3A = arith.constant 0 : index
    %get3A_0 = arith.constant 0 : index
    %get3A_1 = arith.constant 0 : index
    %get3A_2 = vector.load %arg1[%get3A, %get3A_0, %get3A_1] : memref<2x16x10240xf32, #tpu.memory_space<vmem>>, vector<1x16x10000xf32>
    %get3A_3 = vector.shape_cast %get3A_2 : vector<1x16x10000xf32> to vector<16x10000xf32>
    %reduce_sum3A = arith.constant dense<0.000000e+00> : vector<10000xf32>
    %reduce_sum3A_4 = vector.multi_reduction <add>, %get3A_3, %reduce_sum3A [0] : vector<16x10000xf32> to vector<10000xf32>
    %get3A_5 = arith.constant 1 : index
    %get3A_6 = arith.constant 0 : index
    %get3A_7 = arith.constant 0 : index
    %get3A_8 = vector.load %arg1[%get3A_5, %get3A_6, %get3A_7] : memref<2x16x10240xf32, #tpu.memory_space<vmem>>, vector<1x16x10000xf32>
    %get3A_9 = vector.shape_cast %get3A_8 : vector<1x16x10000xf32> to vector<16x10000xf32>
    %reduce_sum3A_10 = arith.constant dense<0.000000e+00> : vector<10000xf32>
    %reduce_sum3A_11 = vector.multi_reduction <add>, %get3A_9, %reduce_sum3A_10 [0] : vector<16x10000xf32> to vector<10000xf32>
    %add3A = arith.addf %reduce_sum3A_4, %reduce_sum3A_11 : vector<10000xf32>
    %add3A_12 = arith.constant 1.000000e+00 : f32
    %add3A_13 = vector.broadcast %add3A_12 : f32 to vector<10000xf32>
    %add3A_14 = arith.addf %add3A, %add3A_13 : vector<10000xf32>
    %rsqrt3A = math.rsqrt %add3A_14 : vector<10000xf32>
    %broadcast_in_dim3A = vector.shape_cast %rsqrt3A : vector<10000xf32> to vector<10000x1xf32>
    %get3A_15 = arith.constant 0 : index
    %get3A_16 = arith.constant 0 : index
    %get3A_17 = arith.constant 0 : index
    %get3A_18 = vector.load %arg0[%get3A_15, %get3A_16, %get3A_17] : memref<2x10240x128xf32, #tpu.memory_space<vmem>>, vector<1x10000x128xf32>
    %get3A_19 = vector.shape_cast %get3A_18 : vector<1x10000x128xf32> to vector<10000x128xf32>
    %get3A_20 = arith.constant 1 : index
    %get3A_21 = arith.constant 0 : index
    %get3A_22 = arith.constant 0 : index
    %get3A_23 = vector.load %arg0[%get3A_20, %get3A_21, %get3A_22] : memref<2x10240x128xf32, #tpu.memory_space<vmem>>, vector<1x10000x128xf32>
    %get3A_24 = vector.shape_cast %get3A_23 : vector<1x10000x128xf32> to vector<10000x128xf32>
    %add3A_25 = arith.addf %get3A_19, %get3A_24 : vector<10000x128xf32>
    %get3A_26 = arith.constant 0 : index
    %get3A_27 = arith.constant 0 : index
    %get3A_28 = vector.load %arg2[%get3A_26, %get3A_27] : memref<10000x128xf32, #tpu.memory_space<vmem>>, vector<10000x128xf32>
    %mul3A = vector.broadcast %broadcast_in_dim3A : vector<10000x1xf32> to vector<10000x128xf32>
    %mul3A_29 = arith.mulf %mul3A, %get3A_28 : vector<10000x128xf32>
    %add3A_30 = arith.addf %add3A_25, %mul3A_29 : vector<10000x128xf32>
    %mul3A_31 = vector.broadcast %broadcast_in_dim3A : vector<10000x1xf32> to vector<10000x128xf32>
    %mul3A_32 = arith.mulf %mul3A_31, %add3A_30 : vector<10000x128xf32>
    %get3A_33 = arith.constant 0 : index
    %get3A_34 = arith.constant 0 : index
    %get3A_35 = vector.load %arg3[%get3A_33, %get3A_34] : memref<128x128xf32, #tpu.memory_space<vmem>>, vector<128x128xf32>
    %dot_general3A = arith.constant dense<0.000000e+00> : vector<10000x128xf32>
    %dot_general3A_36 = tpu.matmul %mul3A_32, %get3A_35, %dot_general3A {dimension_numbers = #tpu.dot_dimension_numbers<[1], [0], [0], [1], [0, 0, 1, 1], [], []>, transpose_lhs_hint = false} : vector<10000x128xf32>, vector<128x128xf32>, vector<10000x128xf32> -> vector<10000x128xf32>
    %get3A_37 = arith.constant 0 : index
    %get3A_38 = arith.constant 0 : index
    %get3A_39 = vector.load %arg4[%get3A_37, %get3A_38] : memref<1x128xf32, #tpu.memory_space<vmem>>, vector<1x128xf32>
    %add3A_40 = vector.broadcast %get3A_39 : vector<1x128xf32> to vector<10000x128xf32>
    %add3A_41 = arith.addf %dot_general3A_36, %add3A_40 : vector<10000x128xf32>
    %swap3A = arith.constant 0 : index
    %swap3A_42 = arith.constant 0 : index
    %swap3A_43 = vector.load %arg7[%swap3A, %swap3A_42] : memref<10000x128xf32, #tpu.memory_space<vmem>>, vector<10000x128xf32>
    tpu.vector_store %arg7[%swap3A, %swap3A_42], %add3A_41 {strides = array<i32>} : memref<10000x128xf32, #tpu.memory_space<vmem>>, vector<10000x128xf32>,
    %get3A_44 = arith.constant 0 : index
    %get3A_45 = arith.constant 0 : index
    %get3A_46 = vector.load %arg5[%get3A_44, %get3A_45] : memref<128x128xf32, #tpu.memory_space<vmem>>, vector<128x128xf32>
    %dot_general3A_47 = arith.constant dense<0.000000e+00> : vector<10000x128xf32>
    %dot_general3A_48 = tpu.matmul %mul3A_32, %get3A_46, %dot_general3A_47 {dimension_numbers = #tpu.dot_dimension_numbers<[1], [0], [0], [1], [0, 0, 1, 1], [], []>, transpose_lhs_hint = false} : vector<10000x128xf32>, vector<128x128xf32>, vector<10000x128xf32> -> vector<10000x128xf32>
    %get3A_49 = arith.constant 0 : index
    %get3A_50 = arith.constant 0 : index
    %get3A_51 = vector.load %arg6[%get3A_49, %get3A_50] : memref<1x128xf32, #tpu.memory_space<vmem>>, vector<1x128xf32>
    %add3A_52 = vector.broadcast %get3A_51 : vector<1x128xf32> to vector<10000x128xf32>
    %add3A_53 = arith.addf %dot_general3A_48, %add3A_52 : vector<10000x128xf32>
    %swap3A_54 = arith.constant 0 : index
    %swap3A_55 = arith.constant 0 : index
    %swap3A_56 = vector.load %arg8[%swap3A_54, %swap3A_55] : memref<10000x128xf32, #tpu.memory_space<vmem>>, vector<10000x128xf32>
    tpu.vector_store %arg8[%swap3A_54, %swap3A_55], %add3A_53 {strides = array<i32>} : memref<10000x128xf32, #tpu.memory_space<vmem>>, vector<10000x128xf32>,
    return
  }
}

</mosaic_0001>

<sc_bundles>
// kernel: kernel.6.cloned.1.call-start
scs
__scs_entry_jumppad:
0x0: {  	(pc) =	sbr.rel $0x88, $3  }
0x1: {  	(tag) =	ssettag $0x0;
	lr =	simm.s32 $0x1  }
0x2: {  	[smem:$0x3F9B] =	sst lr;
	_ =	strace $0xD0000000  }
0x3: {  	_ = 	snop  }
0x4: {  	_ = 	snop  }
0x5: {  	_ = 	snop  }
0x6: {  	_ = 	snop  }
0x7: {  	_ = 	snop  }
__scs_overlays_trampoline_lowered:
0x8: {  	[smem:$0x3FAA] =	sst s0  }
0x9: {  	[smem:$0x3FAB] =	sst s1  }
0xa: {  	[smem:$0x3FAC] =	sst s2  }
0xb: {  	[smem:$0x3FAD] =	sst s3  }
0xc: {  	[smem:$0x3FAE] =	sst s4  }
0xd: {  	[smem:$0x3FAF] =	sst s5  }
0xe: {  	[smem:$0x3FB0] =	sst s6  }
0xf: {  	[smem:$0x3FB1] =	sst s7  }
0x10: {  	[smem:$0x3FB2] =	sst s8  }
0x11: {  	[smem:$0x3FB3] =	sst s9;
	s0 =	simm.s32 @!p0 $0x0  }
0x12: {  	s1 =	sld [smem:$0x3F99];
	s0 =	simm.s32 @p0 $0x1  }
0x13: {  	[smem:$0x3FB4] =	sst s0;
	s0 =	simm.s32 @!p1 $0x0  }
0x14: {  	s2 =	sld [smem:$0x3F98];
	s0 =	simm.s32 @p1 $0x1  }
0x15: {  	[smem:$0x3FB5] =	sst s0;
	s0 =	simm.s32 @!p2 $0x0  }
0x16: {  	s3 =	sld [smem:$0x3FDB];
	s0 =	simm.s32 @p2 $0x1  }
0x17: {  	s4 =	simm.s32 $0x1BF5;
	[smem:$0x3FB7] =	sst s0  }
0x18: {  	s0 =	sld [smem:$0x3F9A];
	_ =	swait.ge [sflag:s4], $0x0  }
0x19: {  	s7 =	sld [smem:$0x3F9B]  }
0x1a: {  	s8 =	sadd.s32 $0xFFFFE003, lr  }
0x1b: {  	s9 =	sadd.s32 $0xFFFFFEF7, lr;
	s5 =	simm.s32 $0xFFFFFFFF;
	p2 =	slt.u32 s8, $0xFFFFF086  }
0x1c: {  	p1 =	slt.u32 s9, $0xF7A;
	s5 =	simm.s32 @!p2 $0x0  }
0x1d: {  	s5 =	simm.s32 @p1 $0x1;
	p0 =	seq.s32 s7, s2  }
0x1e: {  	s7 =	smul.u32 @!p0 $0xF7A, s2;
	p2 =	seq.s32 @!p0 s5, $0x0  }
0x1f: {  	s9 =	smul.u32 $0xF7A, s1;
	s8 =	simm.s32 @!p0 $0x1BF5;
	p2 =	por !p2, p0  }
0x20: {  	[sflag:s8] =	ssyncset.s32 @!p0 $0xFFFFF086;
	s6 =	sadd.s32 @!p0 s3, s7;
	s7 =	simm.s32 @!p0 $0x108  }
0x21: {  	s3 =	sadd.s32 s3, s9;
	s6 =	sadd.s32 @!p0 $0x88, s6;
	s7 =	simm.s32 @p2 $0x1082  }
0x22: {  	[simem:s7], [sflag:s8] =	dma.local @!p0 [hbm:s6], $0xF7A  }
0x23: {  	s9 =	sor.u32 $0xD0000000, s2;
	s6 =	simm.s32 $0x108;
	_ =	swait.ge @!p0 [sflag:s8], $0x0  }
0x24: {  	s3 =	sadd.s32 $0x88, s3;
	s6 =	simm.s32 @!p1 $0x1082;
	[sflag:s4] =	ssyncset.s32 $0xFFFFF086  }
0x25: {  	[simem:s6], [sflag:s4] =	dma.local [hbm:s3], $0xF7A  }
0x26: {  	[smem:$0x3F9B] =	sst s1;
	(tag) =	ssettag s2;
	_ =	strace s9  }
0x27: {  	s1 =	sld [smem:$0x3FAB]  }
0x28: {  	s2 =	sld [smem:$0x3FAC]  }
0x29: {  	s4 =	sld [smem:$0x3FAE]  }
0x2a: {  	p0 =	seq.s32 s5, $0x0;
	s5 =	sld [smem:$0x3FAF]  }
0x2b: {  	s6 =	sld [smem:$0x3FB0]  }
0x2c: {  	s7 =	sld [smem:$0x3FB1]  }
0x2d: {  	s3 =	simm.s32 $0x108;
	s8 =	sld [smem:$0x3FB2]  }
0x2e: {  	s3 =	simm.s32 @!p0 $0x1082;
	s9 =	sld [smem:$0x3FB3]  }
0x2f: {  	lr =	sadd.s32 s0, s3;
	s0 =	sld [smem:$0x3FAA]  }
0x30: {  	s3 =	sld [smem:$0x3FAD]  }
0x31: {  	[smem:$0x3FB6] =	sst s10  }
0x32: {  	s10 =	sld [smem:$0x3FB4];
	_ =	sdelay $0x3  }
0x33: {  	p0 =	seq.s32 s10, $0x1;
	s10 =	sld [smem:$0x3FB6];
	_ =	sdelay $0x3  }
0x34: {  	[smem:$0x3FB6] =	sst s10  }
0x35: {  	s10 =	sld [smem:$0x3FB5];
	_ =	sdelay $0x3  }
0x36: {  	p1 =	seq.s32 s10, $0x1;
	s10 =	sld [smem:$0x3FB6];
	_ =	sdelay $0x3  }
0x37: {  	[smem:$0x3FB6] =	sst s10  }
0x38: {  	s10 =	sld [smem:$0x3FB7]  }
0x39: {  	_ = 	snop;
	(pc) =	sbr.ind lr, $3  }
0x3a: {  	_ = 	snop  }
0x3b: {  	_ = 	snop  }
0x3c: {  	p2 =	seq.s32 s10, $0x1;
	s10 =	sld [smem:$0x3FB6]  }
0x3d: {  	_ =	shalt  }
0x3e: {  	_ =	shalt  }
0x3f: {  	_ =	shalt  }
0x40: {  	_ =	shalt  }
0x41: {  	_ =	shalt  }
0x42: {  	_ =	shalt  }
0x43: {  	_ =	shalt  }
0x44: {  	_ =	shalt  }
0x45: {  	_ =	shalt  }
0x46: {  	_ =	shalt  }
0x47: {  	_ =	shalt  }
0x48: {  	_ =	shalt  }
0x49: {  	_ =	shalt  }
0x4a: {  	_ =	shalt  }
0x4b: {  	_ =	shalt  }
0x4c: {  	_ =	shalt  }
0x4d: {  	_ =	shalt  }
0x4e: {  	_ =	shalt  }
0x4f: {  	_ =	shalt  }
0x50: {  	_ =	shalt  }
0x51: {  	_ =	shalt  }
0x52: {  	_ =	shalt  }
0x53: {  	_ =	shalt  }
0x54: {  	_ =	shalt  }
0x55: {  	_ =	shalt  }
0x56: {  	_ =	shalt  }
0x57: {  	_ =	shalt  }
0x58: {  	_ =	shalt  }
0x59: {  	_ =	shalt  }
0x5a: {  	_ =	shalt  }
0x5b: {  	_ =	shalt  }
0x5c: {  	_ =	shalt  }
0x5d: {  	_ =	shalt  }
0x5e: {  	_ =	shalt  }
0x5f: {  	_ =	shalt  }
0x60: {  	_ =	shalt  }
0x61: {  	_ =	shalt  }
0x62: {  	_ =	shalt  }
0x63: {  	_ =	shalt  }
0x64: {  	_ =	shalt  }
0x65: {  	_ =	shalt  }
0x66: {  	_ =	shalt  }
0x67: {  	_ =	shalt  }
0x68: {  	_ =	shalt  }
0x69: {  	_ =	shalt  }
0x6a: {  	_ =	shalt  }
0x6b: {  	_ =	shalt  }
0x6c: {  	_ =	shalt  }
0x6d: {  	_ =	shalt  }
0x6e: {  	_ =	shalt  }
0x6f: {  	_ =	shalt  }
0x70: {  	_ =	shalt  }
0x71: {  	_ =	shalt  }
0x72: {  	_ =	shalt  }
0x73: {  	_ =	shalt  }
0x74: {  	_ =	shalt  }
0x75: {  	_ =	shalt  }
0x76: {  	_ =	shalt  }
0x77: {  	_ =	shalt  }
0x78: {  	_ =	shalt  }
0x79: {  	_ =	shalt  }
0x7a: {  	_ =	shalt  }
0x7b: {  	_ =	shalt  }
0x7c: {  	_ =	shalt  }
0x7d: {  	_ =	shalt  }
0x7e: {  	_ =	shalt  }
0x7f: {  	_ =	shalt  }
0x80: {  	_ =	shalt  }
0x81: {  	_ =	shalt  }
0x82: {  	_ =	shalt  }
0x83: {  	_ =	shalt  }
0x84: {  	_ =	shalt  }
0x85: {  	_ =	shalt  }
0x86: {  	_ =	shalt  }
0x87: {  	_ =	shalt  }
.Lfunc_end0:
.L_simem_size_0:
called_computation_lowered:
.L_overlay_start_0:
0x88: {  	s2 =	sld [smem:$0x3FD9]  }
0x89: {  	s3 =	sld [smem:$0x3FFE];
	_ =	sdelay $0x1  }
0x8a: {  	s1 =	srdreg.scid  }
0x8b: {  	s0 =	sand.u32 $0x1, s1  }
0x8c: {  	s14 =	sshll.u32 s0, $0xA;
	s2 =	sadd.s32 s3, s2  }
0x8d: {  	s2 =	sadd.s32 s2, s14  }
0x8e: {  	[smem:$0x3FC2] =	sst s2  }
0x8f: {  	_ = 	snop  }
0x90: {  	s2 =	sld [smem:$0x3FD0];
	_ =	sdelay $0x2  }
0x91: {  	s15 =	simm.s32 $0xA;
	s4 =	simm.s32 $0x10  }
0x92: {  	[smem:s4], [sflag:s15] =	dma.local [hbm:s2], $0x1  }
0x93: {  	_ =	swait.eq [sflag:s15], $0x1  }
0x94: {  	[sflag:s15] =	ssyncset.done $0x0  }
0x95: {  	[sflag:s15] =	ssyncadd.s32 $0xFFFFFFFF  }
0x96: {  	s16 =	sld [smem:$0x11];
	(tm) =	ssettm $0x1  }
0x97: {  	s17 =	sld [smem:$0x3FFB];
	_ =	sdelay $0x3  }
0x98: {  	_ =	strace s17  }
0x99: {  	s3 =	sld [smem:$0x3FFC];
	_ =	sdelay $0x3  }
0x9a: {  	_ =	strace s3  }
0x9b: {  	s3 =	sld [smem:$0x3FFD];
	_ =	sdelay $0x3  }
0x9c: {  	_ =	strace s3  }
0x9d: {  	_ =	strace $0x8FFFFFFF  }
0x9e: {  	s18 =	sld [smem:$0x3FDB];
	_ =	sdelay $0x1  }
0x9f: {  	s19 =	simm.s32 $_scs_section_size  }
0xa0: {  	s5 =	simm.s32 $_size__tile_overlayer_lowered;
	s6 =	simm.s32 $_tile_overlayer_lowered  }
0xa1: {  	s22 =	simm.s32 $0x1BFF;
	s21 =	sshll.u32 s6, $0x1;
	s3 =	sadd.s32 s19, s18  }
0xa2: {  	s7 =	simm.s32 $0x0;
	s20 =	sshll.u32 s5, $0x1;
	s5 =	sadd.s32 s21, s3  }
0xa3: {  	[timem:s7], [sflag:s22] =	dma.local [hbm:s5], s20  }
0xa4: {  	_ =	swait.ge [sflag:s22], s20  }
0xa5: {  	s4 =	ssub.s32 $0x0, s20;
	[sflag:s22] =	ssyncset.done $0x0  }
0xa6: {  	[sflag:s22] =	ssyncadd.s32 s4;
	_ =	sdelay $0x1  }
0xa7: {  	s23 =	simm.s32 $0x1B8B  }
0xa8: {  	_ =	swait.ge [sflag:s23], $0x1  }
0xa9: {  	[sflag:s23] =	ssyncset.done $0x0  }
0xaa: {  	s25 =	simm.s32 $0x1B8E;
	s24 =	sld [smem:$0x3FFE];
	[sflag:s23] =	ssyncadd.s32 $0xFFFFFFFF  }
0xab: {  	s26 =	simm.s32 $execute0_lowered;
	[smem:$0x3FD2] =	sst s25  }
0xac: {  	s5 =	sshll.u32 s26, $0x1;
	_ =	strace $0x80000046;
	[dreg:$0x1] =	wrdreg $0xFFFFFFFF  }
0xad: {  	s28 =	simm.s32 $_size_execute0_lowered;
	s3 =	sadd.s32 s3, s5;
	[dreg:$0x0] =	wrdreg $0x0  }
0xae: {  	s5 =	sshll.u32 s28, $0x1;
	[dreg:$0x2] =	wrdreg s3  }
0xaf: {  	[dreg:$0x3] =	wrdreg s5  }
0xb0: {  	[dreg:$0x4] =	wrdreg $0xC0  }
0xb1: {  	_ =	task [dreg:s7], $0x5FFFF  }
0xb2: {  	[dreg:$0x1] =	wrdreg $0xFFFFFFFF  }
0xb3: {  	[dreg:$0x0] =	wrdreg $0x60  }
0xb4: {  	[dreg:$0x2] =	wrdreg s16  }
0xb5: {  	[dreg:$0x3] =	wrdreg s24  }
0xb6: {  	[dreg:$0x4] =	wrdreg $0x9  }
0xb7: {  	_ =	task.clear_ibuf [dreg:s7], $0x5FFFF;
	_ =	strace $0x90000046  }
0xb8: {  	s29 =	simm.s32 $0x9;
	_ =	strace $0x80000048  }
0xb9: {  	_ =	swait.ge [sflag:s29], $0x1  }
0xba: {  	[sflag:s29] =	ssyncadd.s32 $0xFFFFFFFF  }
0xbb: {  	_ =	strace $0x90000048  }
0xbc: {  	_ =	sfence  }
0xbd: {  	s30 =	sld [smem:$0x0];
	_ =	sdelay $0x2  }
0xbe: {  	s31 =	sshll.u32 s1, $0xD;
	s1 =	sshrl.u32 s1, $0x2  }
0xbf: {  	s3 =	sand.u32 $0x4000, s31;
	s1 =	sadd.s32 s1, s30  }
0xc0: {  	s0 =	sor.u32 s3, s0;
	s1 =	sshll.u32 s1, $0x11  }
0xc1: {  	s0 =	sor.u32 s1, s0  }
0xc2: {  	s0 =	sadd.s32 $0x8F2B, s0  }
0xc3: {  	[sflag:s0] =	ssyncadd.remote.s32 $0x1  }
0xc4: {  	_ =	sfence.sel $0xFFFF  }
0xc5: {  	[dreg:$0x0] =	wrdreg $0xFFFFFFFF;
	(pc) =	sbr.abs _section_cstart, $3  }
0xc6: {  	[dreg:$0x1] =	wrdreg $0xFFFFFFFF  }
0xc7: {  	_ =	task.clear_ibuf [dreg:s7], $0x2FFFF;
	_ =	strace $0x9FFFFFFF  }
0xc8: {  	(tm) =	ssettm $0x7FFFFFFF  }
0xc9: {  	_ =	shalt  }
tec
execute0_lowered:
.L_overlay_start_1:
0x0: {  	(tag) =	ssettag $0x1  }
0x1: {  	s3 =	rddreg [dreg:$0x0];
	s0 =	srdreg.scid  }
0x2: {  	s4 =	rddreg [dreg:$0x1];
	s1 =	stileid.u32  }
0x3: {  	s2 =	simm.s32 $0x0;
	s10 =	simm.s32 $0x0;
	s5 =	sand.u32 $0x1, s0  }
0x4: {  	s0 =	rddreg [dreg:$0x2];
	s7 =	sshrl.u32 s1, $0x3;
	s6 =	smul.u32 $0x28000, s5  }
0x5: {  	[smem:$0x7FF] =	sst s2;
	s9 =	sshll.u32 s1, $0x7;
	s7 =	smul.u32 $0x14000, s7  }
0x6: {  	s8 =	sshll.u32 s5, $0x4;
	s29 =	sand.u32 $0x380, s9;
	_ =	strace $0x80000047  }
0x7: {  	s5 =	ssub.s32 $0x2, s5;
	s9 =	simm.s32 $0x400;
	s8 =	sor.u32 s1, s8  }
0x8: {  	s31 =	sshrl.u32 s5, $0x1;
	s6 =	sadd.s32 s6, s7;
	s8 =	smul.u32 $0x2800, s8  }
0x9: {  	s5 =	ssub.s32 s5, s31;
	s7 =	simm.s32 $0x2800;
	s6 =	sor.u32 s29, s6  }
0xa: {  	s5 =	smax.u32 s5, $0x1;
	s6 =	sshrl.u32 s6, $0x3;
	s30 =	sshrl.u32 s8, $0x3  }
0xb: {  	s8 =	simm.s32 $0x80;
	s4 =	sadd.s32 s6, s4;
	s3 =	sadd.s32 s3, s30  }
0xc: {  	v0 =	vimm.f32 $0.0e+00;
	v1 =	vimm.f32 $1.000000000e+00;
	s6 =	simm.s32 $0x1;
	s3 =	sadd.s32 $0xA000, s3;
	s4 =	sadd.s32 $0x1A00, s4  }
.LBB2_1:
0xd: {  	[tilespmem:s2], [sflag:$0x1] =	stream.linear.gather [hbm4b:s3+s2], $0x2800, $0x38;
	[tilespmem:$0x5000] =	vst v63  }
0xe: {  	_ =	swait.ge [sflag:s6], $0x2800  }
0xf: {  	[sflag:s6] =	ssyncset.done $0x0  }
0x10: {  	s11 =	simm.s32 $0x0;
	[sflag:s6] =	ssyncadd.s32 $0xFFFFD800  }
.LBB2_2:
0x11: {  	p0 =	sne.s32 s11, $0x9FC0  }
.Ltmp0:
0x12: {  	_ = 	snop;
	(pc) =	sbr.rel @p0 .LBB2_2-.Ltmp0, $3  }
0x13: {  	_ =	sdelay $0x1  }
0x14: {  	s12 =	sshra.s32 s11, $0x2  }
0x15: {  	s11 =	sadd.s32 $0x40, s11;
	[tilespmem:s12+$0x2800] =	vst v0  }
0x16: {  	s11 =	simm.s32 $0x0  }
.LBB2_4:
0x17: {  	s12 =	sshra.s32 s11, $0x2  }
0x18: {  	v2 =	vld [tilespmem:s12+$0x0];
	_ =	sdelay $0x7  }
0x19: {  	[tilespmem:v2+s7+$0x0] =	vst.idx.add.f32.msk $0xffff, v1  }
0x1a: {  	v2 =	vld [tilespmem:s12+$0x10];
	_ =	sdelay $0x7  }
0x1b: {  	[tilespmem:v2+s7+$0x0] =	vst.idx.add.f32.msk $0xffff, v1  }
0x1c: {  	v2 =	vld [tilespmem:s12+$0x20];
	_ =	sdelay $0x7  }
0x1d: {  	[tilespmem:v2+s7+$0x0] =	vst.idx.add.f32.msk $0xffff, v1  }
0x1e: {  	v2 =	vld [tilespmem:s12+$0x30];
	_ =	sdelay $0x7  }
0x1f: {  	[tilespmem:v2+s7+$0x0] =	vst.idx.add.f32.msk $0xffff, v1  }
0x20: {  	v2 =	vld [tilespmem:s12+$0x40];
	_ =	sdelay $0x7  }
0x21: {  	[tilespmem:v2+s7+$0x0] =	vst.idx.add.f32.msk $0xffff, v1  }
0x22: {  	v2 =	vld [tilespmem:s12+$0x50];
	_ =	sdelay $0x7  }
0x23: {  	[tilespmem:v2+s7+$0x0] =	vst.idx.add.f32.msk $0xffff, v1  }
0x24: {  	v2 =	vld [tilespmem:s12+$0x60];
	_ =	sdelay $0x7  }
0x25: {  	[tilespmem:v2+s7+$0x0] =	vst.idx.add.f32.msk $0xffff, v1  }
0x26: {  	v2 =	vld [tilespmem:s12+$0x70];
	_ =	sdelay $0x2  }
0x27: {  	p0 =	sne.s32 s11, $0x9E00  }
.Ltmp1:
0x28: {  	_ = 	snop;
	(pc) =	sbr.rel @p0 .LBB2_4-.Ltmp1, $2  }
0x29: {  	_ =	sdelay $0x2  }
0x2a: {  	s11 =	sadd.s32 $0x200, s11;
	[tilespmem:v2+s7+$0x0] =	vst.idx.add.f32.msk $0xffff, v1  }
0x2b: {  	s10 =	sadd.s32 $0x1, s10  }
0x2c: {  	p0 =	sne.s32 s10, s5  }
.Ltmp2:
0x2d: {  	_ = 	snop;
	(pc) =	sbr.rel @p0 .LBB2_1-.Ltmp2, $4  }
0x2e: {  	[hbm4b:s4+s8] =	stream.strided.scatter [tilespmem:s7], [sflag:$0x1], $0x2800, s9, s8, $0x38;
	[tilespmem:$0x5000] =	vst v63  }
0x2f: {  	_ =	swait.ge [sflag:s6], $0x2800  }
0x30: {  	[sflag:s6] =	ssyncset.done $0x0  }
0x31: {  	[sflag:s6] =	ssyncadd.s32 $0xFFFFD800  }
0x32: {  	_ =	sfence.sel $0x180000  }
0x33: {  	[bflag:$0x0] =	sbarrier.arrive $0xFFFF  }
0x34: {  	p0 =	sne.s32 s1, $0x0;
	_ =	strace $0x90000047  }
0x35: {  	s0 =	sadd.s32 @!p0 $0x100000, s0;
	[bflag:$0x2] =	sbarrier.arrive $0xFFFF  }
0x36: {  	[sflag:s0] =	ssyncadd.tile.s32 @!p0 $0x1;
	_ =	shalt  }
.Lfunc_end2:
_tile_overlayer_lowered:
.L_overlay_start_2:
0x37: {  	(tag) =	ssettag $0x2  }
0x38: {  	s0 =	rddreg [dreg:$0x0];
	s2 =	stileid.u32  }
0x39: {  	s1 =	rddreg [dreg:$0x1];
	p0 =	sne.s32 s2, $0x0  }
0x3a: {  	s3 =	rddreg [dreg:$0x2];
	[bflag:$0x3] =	sbarrier.arrive $0xFFFF;
	s2 =	simm.s32 @!p0 $0x1C01  }
0x3b: {  	[timem:s3], [sflag:s2] =	dma.local @!p0 [hbm:s0], s1  }
0x3c: {  	s0 =	simm.s32 @!p0 $0x1  }
0x3d: {  	_ =	swait.ge @!p0 [sflag:s0], s1  }
0x3e: {  	s1 =	ssub.s32 @!p0 $0x0, s1;
	[sflag:s0] =	ssyncset.done @!p0 $0x0  }
0x3f: {  	[sflag:s0] =	ssyncadd.s32 @!p0 s1  }
0x40: {  	[bflag:$0x3] =	sbarrier.arrive $0xFFFF  }
0x41: {  	_ =	shalt  }

// kernel: kernel.9.cloned.1.call-start
scs
__scs_entry_jumppad:
0x0: {  	(pc) =	sbr.rel $0x88, $3  }
0x1: {  	(tag) =	ssettag $0x0;
	lr =	simm.s32 $0x1  }
0x2: {  	[smem:$0x3F9B] =	sst lr;
	_ =	strace $0xD0000000  }
0x3: {  	_ = 	snop  }
0x4: {  	_ = 	snop  }
0x5: {  	_ = 	snop  }
0x6: {  	_ = 	snop  }
0x7: {  	_ = 	snop  }
__scs_overlays_trampoline_lowered:
0x8: {  	[smem:$0x3FAA] =	sst s0  }
0x9: {  	[smem:$0x3FAB] =	sst s1  }
0xa: {  	[smem:$0x3FAC] =	sst s2  }
0xb: {  	[smem:$0x3FAD] =	sst s3  }
0xc: {  	[smem:$0x3FAE] =	sst s4  }
0xd: {  	[smem:$0x3FAF] =	sst s5  }
0xe: {  	[smem:$0x3FB0] =	sst s6  }
0xf: {  	[smem:$0x3FB1] =	sst s7  }
0x10: {  	[smem:$0x3FB2] =	sst s8  }
0x11: {  	[smem:$0x3FB3] =	sst s9;
	s0 =	simm.s32 @!p0 $0x0  }
0x12: {  	s1 =	sld [smem:$0x3F99];
	s0 =	simm.s32 @p0 $0x1  }
0x13: {  	[smem:$0x3FB4] =	sst s0;
	s0 =	simm.s32 @!p1 $0x0  }
0x14: {  	s2 =	sld [smem:$0x3F98];
	s0 =	simm.s32 @p1 $0x1  }
0x15: {  	[smem:$0x3FB5] =	sst s0;
	s0 =	simm.s32 @!p2 $0x0  }
0x16: {  	s3 =	sld [smem:$0x3FDB];
	s0 =	simm.s32 @p2 $0x1  }
0x17: {  	s4 =	simm.s32 $0x1BF5;
	[smem:$0x3FB7] =	sst s0  }
0x18: {  	s0 =	sld [smem:$0x3F9A];
	_ =	swait.ge [sflag:s4], $0x0  }
0x19: {  	s7 =	sld [smem:$0x3F9B]  }
0x1a: {  	s8 =	sadd.s32 $0xFFFFE003, lr  }
0x1b: {  	s9 =	sadd.s32 $0xFFFFFEF7, lr;
	s5 =	simm.s32 $0xFFFFFFFF;
	p2 =	slt.u32 s8, $0xFFFFF086  }
0x1c: {  	p1 =	slt.u32 s9, $0xF7A;
	s5 =	simm.s32 @!p2 $0x0  }
0x1d: {  	s5 =	simm.s32 @p1 $0x1;
	p0 =	seq.s32 s7, s2  }
0x1e: {  	s7 =	smul.u32 @!p0 $0xF7A, s2;
	p2 =	seq.s32 @!p0 s5, $0x0  }
0x1f: {  	s9 =	smul.u32 $0xF7A, s1;
	s8 =	simm.s32 @!p0 $0x1BF5;
	p2 =	por !p2, p0  }
0x20: {  	[sflag:s8] =	ssyncset.s32 @!p0 $0xFFFFF086;
	s6 =	sadd.s32 @!p0 s3, s7;
	s7 =	simm.s32 @!p0 $0x108  }
0x21: {  	s3 =	sadd.s32 s3, s9;
	s6 =	sadd.s32 @!p0 $0x88, s6;
	s7 =	simm.s32 @p2 $0x1082  }
0x22: {  	[simem:s7], [sflag:s8] =	dma.local @!p0 [hbm:s6], $0xF7A  }
0x23: {  	s9 =	sor.u32 $0xD0000000, s2;
	s6 =	simm.s32 $0x108;
	_ =	swait.ge @!p0 [sflag:s8], $0x0  }
0x24: {  	s3 =	sadd.s32 $0x88, s3;
	s6 =	simm.s32 @!p1 $0x1082;
	[sflag:s4] =	ssyncset.s32 $0xFFFFF086  }
0x25: {  	[simem:s6], [sflag:s4] =	dma.local [hbm:s3], $0xF7A  }
0x26: {  	[smem:$0x3F9B] =	sst s1;
	(tag) =	ssettag s2;
	_ =	strace s9  }
0x27: {  	s1 =	sld [smem:$0x3FAB]  }
0x28: {  	s2 =	sld [smem:$0x3FAC]  }
0x29: {  	s4 =	sld [smem:$0x3FAE]  }
0x2a: {  	p0 =	seq.s32 s5, $0x0;
	s5 =	sld [smem:$0x3FAF]  }
0x2b: {  	s6 =	sld [smem:$0x3FB0]  }
0x2c: {  	s7 =	sld [smem:$0x3FB1]  }
0x2d: {  	s3 =	simm.s32 $0x108;
	s8 =	sld [smem:$0x3FB2]  }
0x2e: {  	s3 =	simm.s32 @!p0 $0x1082;
	s9 =	sld [smem:$0x3FB3]  }
0x2f: {  	lr =	sadd.s32 s0, s3;
	s0 =	sld [smem:$0x3FAA]  }
0x30: {  	s3 =	sld [smem:$0x3FAD]  }
0x31: {  	[smem:$0x3FB6] =	sst s10  }
0x32: {  	s10 =	sld [smem:$0x3FB4];
	_ =	sdelay $0x3  }
0x33: {  	p0 =	seq.s32 s10, $0x1;
	s10 =	sld [smem:$0x3FB6];
	_ =	sdelay $0x3  }
0x34: {  	[smem:$0x3FB6] =	sst s10  }
0x35: {  	s10 =	sld [smem:$0x3FB5];
	_ =	sdelay $0x3  }
0x36: {  	p1 =	seq.s32 s10, $0x1;
	s10 =	sld [smem:$0x3FB6];
	_ =	sdelay $0x3  }
0x37: {  	[smem:$0x3FB6] =	sst s10  }
0x38: {  	s10 =	sld [smem:$0x3FB7]  }
0x39: {  	_ = 	snop;
	(pc) =	sbr.ind lr, $3  }
0x3a: {  	_ = 	snop  }
0x3b: {  	_ = 	snop  }
0x3c: {  	p2 =	seq.s32 s10, $0x1;
	s10 =	sld [smem:$0x3FB6]  }
0x3d: {  	_ =	shalt  }
0x3e: {  	_ =	shalt  }
0x3f: {  	_ =	shalt  }
0x40: {  	_ =	shalt  }
0x41: {  	_ =	shalt  }
0x42: {  	_ =	shalt  }
0x43: {  	_ =	shalt  }
0x44: {  	_ =	shalt  }
0x45: {  	_ =	shalt  }
0x46: {  	_ =	shalt  }
0x47: {  	_ =	shalt  }
0x48: {  	_ =	shalt  }
0x49: {  	_ =	shalt  }
0x4a: {  	_ =	shalt  }
0x4b: {  	_ =	shalt  }
0x4c: {  	_ =	shalt  }
0x4d: {  	_ =	shalt  }
0x4e: {  	_ =	shalt  }
0x4f: {  	_ =	shalt  }
0x50: {  	_ =	shalt  }
0x51: {  	_ =	shalt  }
0x52: {  	_ =	shalt  }
0x53: {  	_ =	shalt  }
0x54: {  	_ =	shalt  }
0x55: {  	_ =	shalt  }
0x56: {  	_ =	shalt  }
0x57: {  	_ =	shalt  }
0x58: {  	_ =	shalt  }
0x59: {  	_ =	shalt  }
0x5a: {  	_ =	shalt  }
0x5b: {  	_ =	shalt  }
0x5c: {  	_ =	shalt  }
0x5d: {  	_ =	shalt  }
0x5e: {  	_ =	shalt  }
0x5f: {  	_ =	shalt  }
0x60: {  	_ =	shalt  }
0x61: {  	_ =	shalt  }
0x62: {  	_ =	shalt  }
0x63: {  	_ =	shalt  }
0x64: {  	_ =	shalt  }
0x65: {  	_ =	shalt  }
0x66: {  	_ =	shalt  }
0x67: {  	_ =	shalt  }
0x68: {  	_ =	shalt  }
0x69: {  	_ =	shalt  }
0x6a: {  	_ =	shalt  }
0x6b: {  	_ =	shalt  }
0x6c: {  	_ =	shalt  }
0x6d: {  	_ =	shalt  }
0x6e: {  	_ =	shalt  }
0x6f: {  	_ =	shalt  }
0x70: {  	_ =	shalt  }
0x71: {  	_ =	shalt  }
0x72: {  	_ =	shalt  }
0x73: {  	_ =	shalt  }
0x74: {  	_ =	shalt  }
0x75: {  	_ =	shalt  }
0x76: {  	_ =	shalt  }
0x77: {  	_ =	shalt  }
0x78: {  	_ =	shalt  }
0x79: {  	_ =	shalt  }
0x7a: {  	_ =	shalt  }
0x7b: {  	_ =	shalt  }
0x7c: {  	_ =	shalt  }
0x7d: {  	_ =	shalt  }
0x7e: {  	_ =	shalt  }
0x7f: {  	_ =	shalt  }
0x80: {  	_ =	shalt  }
0x81: {  	_ =	shalt  }
0x82: {  	_ =	shalt  }
0x83: {  	_ =	shalt  }
0x84: {  	_ =	shalt  }
0x85: {  	_ =	shalt  }
0x86: {  	_ =	shalt  }
0x87: {  	_ =	shalt  }
.Lfunc_end0:
.L_simem_size_0:
called_computation.1_lowered:
.L_overlay_start_0:
0x88: {  	s2 =	sld [smem:$0x3FD9]  }
0x89: {  	s3 =	sld [smem:$0x3FFE];
	_ =	sdelay $0x1  }
0x8a: {  	s1 =	srdreg.scid  }
0x8b: {  	s0 =	sand.u32 $0x1, s1  }
0x8c: {  	s14 =	sshll.u32 s0, $0xA;
	s2 =	sadd.s32 s3, s2  }
0x8d: {  	s2 =	sadd.s32 s2, s14  }
0x8e: {  	[smem:$0x3FC2] =	sst s2  }
0x8f: {  	_ = 	snop  }
0x90: {  	s2 =	sld [smem:$0x3FD0];
	_ =	sdelay $0x2  }
0x91: {  	s15 =	simm.s32 $0xA;
	s4 =	simm.s32 $0x10  }
0x92: {  	[smem:s4], [sflag:s15] =	dma.local [hbm:s2], $0x1  }
0x93: {  	_ =	swait.eq [sflag:s15], $0x1  }
0x94: {  	[sflag:s15] =	ssyncset.done $0x0  }
0x95: {  	[sflag:s15] =	ssyncadd.s32 $0xFFFFFFFF  }
0x96: {  	s16 =	sld [smem:$0x11];
	(tm) =	ssettm $0x1  }
0x97: {  	s17 =	sld [smem:$0x3FFB];
	_ =	sdelay $0x3  }
0x98: {  	_ =	strace s17  }
0x99: {  	s3 =	sld [smem:$0x3FFC];
	_ =	sdelay $0x3  }
0x9a: {  	_ =	strace s3  }
0x9b: {  	s3 =	sld [smem:$0x3FFD];
	_ =	sdelay $0x3  }
0x9c: {  	_ =	strace s3  }
0x9d: {  	_ =	strace $0x8FFFFFFF  }
0x9e: {  	s18 =	sld [smem:$0x3FDB];
	_ =	sdelay $0x1  }
0x9f: {  	s19 =	simm.s32 $_scs_section_size  }
0xa0: {  	s5 =	simm.s32 $_size__tile_overlayer_lowered;
	s6 =	simm.s32 $_tile_overlayer_lowered  }
0xa1: {  	s22 =	simm.s32 $0x1BFF;
	s21 =	sshll.u32 s6, $0x1;
	s3 =	sadd.s32 s19, s18  }
0xa2: {  	s7 =	simm.s32 $0x0;
	s20 =	sshll.u32 s5, $0x1;
	s5 =	sadd.s32 s21, s3  }
0xa3: {  	[timem:s7], [sflag:s22] =	dma.local [hbm:s5], s20  }
0xa4: {  	_ =	swait.ge [sflag:s22], s20  }
0xa5: {  	s4 =	ssub.s32 $0x0, s20;
	[sflag:s22] =	ssyncset.done $0x0  }
0xa6: {  	[sflag:s22] =	ssyncadd.s32 s4;
	_ =	sdelay $0x1  }
0xa7: {  	s23 =	simm.s32 $0x1B8B  }
0xa8: {  	_ =	swait.ge [sflag:s23], $0x1  }
0xa9: {  	[sflag:s23] =	ssyncset.done $0x0  }
0xaa: {  	s25 =	simm.s32 $0x1B8E;
	s24 =	sld [smem:$0x3FFE];
	[sflag:s23] =	ssyncadd.s32 $0xFFFFFFFF  }
0xab: {  	s26 =	simm.s32 $execute0_lowered;
	[smem:$0x3FD2] =	sst s25  }
0xac: {  	s5 =	sshll.u32 s26, $0x1;
	_ =	strace $0x80000049;
	[dreg:$0x1] =	wrdreg $0xFFFFFFFF  }
0xad: {  	s28 =	simm.s32 $_size_execute0_lowered;
	s3 =	sadd.s32 s3, s5;
	[dreg:$0x0] =	wrdreg $0x0  }
0xae: {  	s5 =	sshll.u32 s28, $0x1;
	[dreg:$0x2] =	wrdreg s3  }
0xaf: {  	[dreg:$0x3] =	wrdreg s5  }
0xb0: {  	[dreg:$0x4] =	wrdreg $0xC0  }
0xb1: {  	_ =	task [dreg:s7], $0x5FFFF  }
0xb2: {  	[dreg:$0x1] =	wrdreg $0xFFFFFFFF  }
0xb3: {  	[dreg:$0x0] =	wrdreg $0x60  }
0xb4: {  	[dreg:$0x2] =	wrdreg s24  }
0xb5: {  	[dreg:$0x3] =	wrdreg s16  }
0xb6: {  	[dreg:$0x4] =	wrdreg $0xBC000  }
0xb7: {  	[dreg:$0x5] =	wrdreg $0x9  }
0xb8: {  	_ =	task.clear_ibuf [dreg:s7], $0x6FFFF;
	_ =	strace $0x90000049  }
0xb9: {  	s29 =	simm.s32 $0x9;
	_ =	strace $0x8000004B  }
0xba: {  	_ =	swait.ge [sflag:s29], $0x1  }
0xbb: {  	[sflag:s29] =	ssyncadd.s32 $0xFFFFFFFF  }
0xbc: {  	_ =	strace $0x9000004B  }
0xbd: {  	_ =	sfence  }
0xbe: {  	s30 =	sld [smem:$0x0];
	_ =	sdelay $0x2  }
0xbf: {  	s31 =	sshll.u32 s1, $0xD;
	s1 =	sshrl.u32 s1, $0x2  }
0xc0: {  	s3 =	sand.u32 $0x4000, s31;
	s1 =	sadd.s32 s1, s30  }
0xc1: {  	s0 =	sor.u32 s3, s0;
	s1 =	sshll.u32 s1, $0x11  }
0xc2: {  	s0 =	sor.u32 s1, s0  }
0xc3: {  	s0 =	sadd.s32 $0x8F2B, s0  }
0xc4: {  	[sflag:s0] =	ssyncadd.remote.s32 $0x1  }
0xc5: {  	_ =	sfence.sel $0xFFFF  }
0xc6: {  	[dreg:$0x0] =	wrdreg $0xFFFFFFFF;
	(pc) =	sbr.abs _section_cstart, $3  }
0xc7: {  	[dreg:$0x1] =	wrdreg $0xFFFFFFFF  }
0xc8: {  	_ =	task.clear_ibuf [dreg:s7], $0x2FFFF;
	_ =	strace $0x9FFFFFFF  }
0xc9: {  	(tm) =	ssettm $0x7FFFFFFF  }
tec
execute0_lowered:
.L_overlay_start_1:
0x0: {  	(tag) =	ssettag $0x1  }
0x1: {  	s5 =	rddreg [dreg:$0x0]  }
0x2: {  	s9 =	rddreg [dreg:$0x1]  }
0x3: {  	s1 =	rddreg [dreg:$0x2]  }
0x4: {  	s2 =	srdreg.scid;
	s0 =	rddreg [dreg:$0x3];
	s3 =	simm.s32 $0x0  }
0x5: {  	s15 =	simm.s32 $0x3C00;
	s16 =	simm.s32 $0x3;
	s17 =	simm.s32 $0x2800  }
0x6: {  	s18 =	simm.s32 $0x80;
	s19 =	simm.s32 $0x7C00;
	s20 =	simm.s32 $0x1  }
0x7: {  	s21 =	simm.s32 $0x2;
	s22 =	simm.s32 $0x3B00;
	s6 =	sand.u32 $0x1, s2  }
0x8: {  	s23 =	simm.s32 $0x3B80;
	s2 =	stileid.u32;
	s4 =	smul.u32 $0x140000, s6  }
0x9: {  	s24 =	simm.s32 $0x0;
	[smem:$0x7FF] =	sst s3;
	s7 =	smul.u32 $0x14000, s2  }
0xa: {  	s8 =	sshll.u32 s6, $0x4;
	s10 =	smul.u32 $0x50000, s2;
	s6 =	ssub.s32 $0x2, s6  }
0xb: {  	_ =	strace $0x8000004A;
	s8 =	sor.u32 s2, s8;
	s30 =	sshrl.u32 s6, $0x1  }
0xc: {  	s7 =	sadd.s32 s7, s4;
	s4 =	sadd.s32 $0xBA00, s5;
	s10 =	sshrl.u32 s10, $0x2  }
0xd: {  	s8 =	smul.u32 $0x2800, s8;
	s14 =	ssub.s32 s6, s30;
	s7 =	sshrl.u32 s7, $0x3  }
0xe: {  	s14 =	smax.u32 s14, $0x1;
	s13 =	sadd.s32 s7, s5;
	s5 =	sadd.s32 s10, s1  }
0xf: {  	s31 =	sshrl.u32 s8, $0x3;
	s6 =	sadd.s32 $0x4000, s5;
	s7 =	sadd.s32 $0x8000, s5  }
0x10: {  	s8 =	sadd.s32 $0xC000, s5;
	s9 =	sadd.s32 s9, s31;
	s10 =	sadd.s32 $0x10000, s5  }
0x11: {  	v0 =	vimm.f32 $0.0e+00;
	s13 =	sadd.s32 $0x33A00, s13;
	s11 =	sadd.s32 $0xA000, s9;
	s12 =	sadd.s32 $0xA280, s9  }
.LBB2_1:
0x12: {  	s25 =	simm.s32 $0x0;
	s26 =	simm.s32 $0x200  }
.LBB2_2:
0x13: {  	p0 =	sne.s32 s26, $0xFE00;
	[tilespmem:s25+$0x3C70] =	vst v0  }
0x14: {  	[tilespmem:s25+$0x3C00] =	vst v0  }
0x15: {  	[tilespmem:s25+$0x3C10] =	vst v0  }
.Ltmp0:
0x16: {  	[tilespmem:s25+$0x3C20] =	vst v0;
	(pc) =	sbr.rel @p0 .LBB2_2-.Ltmp0, $4  }
0x17: {  	[tilespmem:s25+$0x3C30] =	vst v0  }
0x18: {  	[tilespmem:s25+$0x3C40] =	vst v0  }
0x19: {  	[tilespmem:s25+$0x3C50] =	vst v0  }
0x1a: {  	[tilespmem:s25+$0x3C60] =	vst v0;
	s25 =	sshra.s32 s26, $0x2;
	s26 =	sadd.s32 $0x200, s26  }
0x1b: {  	[tilespmem:s25+$0x3C70] =	vst v0  }
0x1c: {  	[tilespmem:s25+$0x3C00] =	vst v0  }
0x1d: {  	[tilespmem:s25+$0x3C10] =	vst v0  }
0x1e: {  	[tilespmem:s25+$0x3C20] =	vst v0  }
0x1f: {  	[tilespmem:s25+$0x3C30] =	vst v0  }
0x20: {  	[tilespmem:s25+$0x3C40] =	vst v0  }
0x21: {  	[tilespmem:s25+$0x3C50] =	vst v0  }
0x22: {  	[tilespmem:s25+$0x3C60] =	vst v0  }
0x23: {  	[spmem:s5] =	stream.linear.scatter [tilespmem:s15], [sflag:$0x3], $0x4000, $0x38;
	[tilespmem:$0x1FC00] =	vst v63  }
0x24: {  	_ =	swait.ge [sflag:s16], $0x4000  }
0x25: {  	[sflag:s16] =	ssyncset.done $0x0  }
0x26: {  	[sflag:s16] =	ssyncadd.s32 $0xFFFFC000  }
0x27: {  	[spmem:s6] =	stream.linear.scatter [tilespmem:s15], [sflag:$0x3], $0x4000, $0x38;
	[tilespmem:$0x1FC00] =	vst v63  }
0x28: {  	_ =	swait.ge [sflag:s16], $0x4000  }
0x29: {  	[sflag:s16] =	ssyncset.done $0x0  }
0x2a: {  	[sflag:s16] =	ssyncadd.s32 $0xFFFFC000  }
0x2b: {  	[spmem:s7] =	stream.linear.scatter [tilespmem:s15], [sflag:$0x3], $0x4000, $0x38;
	[tilespmem:$0x1FC00] =	vst v63  }
0x2c: {  	_ =	swait.ge [sflag:s16], $0x4000  }
0x2d: {  	[sflag:s16] =	ssyncset.done $0x0  }
0x2e: {  	[sflag:s16] =	ssyncadd.s32 $0xFFFFC000  }
0x2f: {  	[spmem:s8] =	stream.linear.scatter [tilespmem:s15], [sflag:$0x3], $0x4000, $0x38;
	[tilespmem:$0x1FC00] =	vst v63  }
0x30: {  	_ =	swait.ge [sflag:s16], $0x4000  }
0x31: {  	[sflag:s16] =	ssyncset.done $0x0  }
0x32: {  	[sflag:s16] =	ssyncadd.s32 $0xFFFFC000  }
0x33: {  	[spmem:s10] =	stream.linear.scatter [tilespmem:s15], [sflag:$0x3], $0x4000, $0x38;
	[tilespmem:$0x1FC00] =	vst v63  }
0x34: {  	_ =	swait.ge [sflag:s16], $0x4000  }
0x35: {  	[sflag:s16] =	ssyncset.done $0x0  }
0x36: {  	[sflag:s16] =	ssyncadd.s32 $0xFFFFC000  }
0x37: {  	s28 =	simm.s32 $0x0;
	[bflag:$0x0] =	sbarrier.arrive $0xFFFF  }
0x38: {  	[tilespmem:s28], [sflag:$0x3] =	stream.linear.gather [hbm4b:s9+s28], $0x2800, $0x38;
	[tilespmem:$0x1FC00] =	vst v63  }
0x39: {  	_ =	swait.ge [sflag:s16], $0x2800  }
0x3a: {  	[sflag:s16] =	ssyncset.done $0x0  }
0x3b: {  	[sflag:s16] =	ssyncadd.s32 $0xFFFFD800  }
0x3c: {  	[tilespmem:s17], [sflag:$0x3] =	stream.linear.gather [hbm4b:s11+s28], $0x1400, $0x38;
	[tilespmem:$0x1FC00] =	vst v63  }
0x3d: {  	_ =	swait.ge [sflag:s16], $0x1400  }
0x3e: {  	[sflag:s16] =	ssyncset.done $0x0  }
0x3f: {  	[sflag:s16] =	ssyncadd.s32 $0xFFFFEC00  }
0x40: {  	[tilespmem:s15], [sflag:$0x1] =	stream.indirect.gather [hbm4b:s4+s18], $0x80, s28, s18, $0xb8;
	[tilespmem:$0x1FC00] =	vst v63  }
0x41: {  	_ = 	snop  }
0x42: {  	[tilespmem:s19], [sflag:$0x2] =	stream.indirect.gather [hbm4b:s4+s18], $0x80, s18, s18, $0xb8;
	[tilespmem:$0x1FC00] =	vst v63  }
0x43: {  	_ =	swait.ge [sflag:s20], $0x4000  }
0x44: {  	[sflag:s20] =	ssyncset.done $0x0  }
0x45: {  	s29 =	simm.s32 $0x2800;
	[sflag:s20] =	ssyncadd.s32 $0xFFFFC000  }
0x46: {  	[spmem:s1] =	stream.indirect.scatter.add.f32 [tilespmem:s15], [sflag:$0x3], $0x80, s29, s18, $0xb8;
	[tilespmem:$0x1FC00] =	vst v63  }
0x47: {  	_ =	swait.ge [sflag:s16], $0x4000  }
0x48: {  	[sflag:s16] =	ssyncset.done $0x0  }
0x49: {  	s30 =	simm.s32 $0x100;
	[sflag:s16] =	ssyncadd.s32 $0xFFFFC000  }
0x4a: {  	[tilespmem:s15], [sflag:$0x1] =	stream.indirect.gather [hbm4b:s4+s18], $0x80, s30, s18, $0xb8;
	[tilespmem:$0x1FC00] =	vst v63  }
0x4b: {  	_ =	swait.ge [sflag:s21], $0x4000  }
0x4c: {  	[sflag:s21] =	ssyncset.done $0x0  }
0x4d: {  	s31 =	simm.s32 $0x2880;
	[sflag:s21] =	ssyncadd.s32 $0xFFFFC000  }
0x4e: {  	[spmem:s1] =	stream.indirect.scatter.add.f32 [tilespmem:s19], [sflag:$0x3], $0x80, s31, s18, $0xb8;
	[tilespmem:$0x1FC00] =	vst v63  }
0x4f: {  	_ =	swait.ge [sflag:s16], $0x4000  }
0x50: {  	[sflag:s16] =	ssyncset.done $0x0  }
0x51: {  	s25 =	simm.s32 $0x400;
	s26 =	simm.s32 $0x180;
	[sflag:s16] =	ssyncadd.s32 $0xFFFFC000  }
.LBB2_4:
0x52: {  	[tilespmem:s19], [sflag:$0x2] =	stream.indirect.gather [hbm4b:s4+s18], $0x80, s26, s18, $0xb8;
	[tilespmem:$0x1FC00] =	vst v63  }
0x53: {  	s26 =	smov.u32 s25  }
0x54: {  	p0 =	sne.s32 s25, $0x4C00;
	s25 =	sadd.s32 $0x400, s25;
	_ =	swait.ge [sflag:s20], $0x4000  }
0x55: {  	s26 =	sshra.s32 s26, $0x2;
	[sflag:s20] =	ssyncset.done $0x0  }
0x56: {  	s28 =	sadd.s32 $0x2800, s26;
	[sflag:s20] =	ssyncadd.s32 $0xFFFFC000  }
0x57: {  	[spmem:s1] =	stream.indirect.scatter.add.f32 [tilespmem:s15], [sflag:$0x3], $0x80, s28, s18, $0xb8;
	[tilespmem:$0x1FC00] =	vst v63  }
0x58: {  	_ =	swait.ge [sflag:s16], $0x4000  }
0x59: {  	[sflag:s16] =	ssyncset.done $0x0  }
0x5a: {  	s28 =	sadd.s32 $0x100, s26;
	[sflag:s16] =	ssyncadd.s32 $0xFFFFC000  }
0x5b: {  	[tilespmem:s15], [sflag:$0x1] =	stream.indirect.gather [hbm4b:s4+s18], $0x80, s28, s18, $0xb8;
	[tilespmem:$0x1FC00] =	vst v63  }
0x5c: {  	_ =	swait.ge [sflag:s21], $0x4000  }
0x5d: {  	[sflag:s21] =	ssyncset.done $0x0  }
.Ltmp1:
0x5e: {  	s28 =	sadd.s32 $0x2880, s26;
	[sflag:s21] =	ssyncadd.s32 $0xFFFFC000;
	(pc) =	sbr.rel @p0 .LBB2_4-.Ltmp1, $4  }
0x5f: {  	[spmem:s1] =	stream.indirect.scatter.add.f32 [tilespmem:s19], [sflag:$0x3], $0x80, s28, s18, $0xb8;
	[tilespmem:$0x1FC00] =	vst v63  }
0x60: {  	_ =	swait.ge [sflag:s16], $0x4000  }
0x61: {  	[sflag:s16] =	ssyncset.done $0x0  }
0x62: {  	s26 =	sadd.s32 $0x180, s26;
	[sflag:s16] =	ssyncadd.s32 $0xFFFFC000  }
0x63: {  	[tilespmem:s19], [sflag:$0x2] =	stream.indirect.gather [hbm4b:s4+s18], $0x80, s26, s18, $0xb8;
	[tilespmem:$0x1FC00] =	vst v63  }
0x64: {  	s25 =	simm.s32 $0x0  }
0x65: {  	[tilespmem:s17], [sflag:$0x3] =	stream.linear.gather [hbm4b:s12+s25], $0x1400, $0x38;
	[tilespmem:$0x1FC00] =	vst v63  }
0x66: {  	_ =	swait.ge [sflag:s16], $0x1400  }
0x67: {  	[sflag:s16] =	ssyncset.done $0x0  }
0x68: {  	[sflag:s16] =	ssyncadd.s32 $0xFFFFEC00  }
0x69: {  	_ =	swait.ge [sflag:s20], $0x4000  }
0x6a: {  	[sflag:s20] =	ssyncset.done $0x0  }
0x6b: {  	s29 =	simm.s32 $0x2800;
	[sflag:s20] =	ssyncadd.s32 $0xFFFFC000  }
0x6c: {  	[spmem:s1] =	stream.indirect.scatter.add.f32 [tilespmem:s15], [sflag:$0x3], $0x80, s29, s18, $0xb8;
	[tilespmem:$0x1FC00] =	vst v63  }
0x6d: {  	_ =	swait.ge [sflag:s16], $0x4000  }
0x6e: {  	[sflag:s16] =	ssyncset.done $0x0  }
0x6f: {  	s30 =	simm.s32 $0x1500;
	[sflag:s16] =	ssyncadd.s32 $0xFFFFC000  }
0x70: {  	[tilespmem:s15], [sflag:$0x1] =	stream.indirect.gather [hbm4b:s4+s18], $0x80, s30, s18, $0xb8;
	[tilespmem:$0x1FC00] =	vst v63  }
0x71: {  	_ =	swait.ge [sflag:s21], $0x4000  }
0x72: {  	[sflag:s21] =	ssyncset.done $0x0  }
0x73: {  	s31 =	simm.s32 $0x2880;
	[sflag:s21] =	ssyncadd.s32 $0xFFFFC000  }
0x74: {  	[spmem:s1] =	stream.indirect.scatter.add.f32 [tilespmem:s19], [sflag:$0x3], $0x80, s31, s18, $0xb8;
	[tilespmem:$0x1FC00] =	vst v63  }
0x75: {  	_ =	swait.ge [sflag:s16], $0x4000  }
0x76: {  	[sflag:s16] =	ssyncset.done $0x0  }
0x77: {  	s26 =	simm.s32 $0x1580;
	s25 =	simm.s32 $0x400;
	[sflag:s16] =	ssyncadd.s32 $0xFFFFC000  }
.LBB2_6:
0x78: {  	[tilespmem:s19], [sflag:$0x2] =	stream.indirect.gather [hbm4b:s4+s18], $0x80, s26, s18, $0xb8;
	[tilespmem:$0x1FC00] =	vst v63  }
0x79: {  	s26 =	smov.u32 s25  }
0x7a: {  	p0 =	sne.s32 s25, $0x4800;
	s25 =	sadd.s32 $0x400, s25;
	_ =	swait.ge [sflag:s20], $0x4000  }
0x7b: {  	s26 =	sshra.s32 s26, $0x2;
	[sflag:s20] =	ssyncset.done $0x0  }
0x7c: {  	s28 =	sadd.s32 $0x2800, s26;
	[sflag:s20] =	ssyncadd.s32 $0xFFFFC000  }
0x7d: {  	[spmem:s1] =	stream.indirect.scatter.add.f32 [tilespmem:s15], [sflag:$0x3], $0x80, s28, s18, $0xb8;
	[tilespmem:$0x1FC00] =	vst v63  }
0x7e: {  	_ =	swait.ge [sflag:s16], $0x4000  }
0x7f: {  	[sflag:s16] =	ssyncset.done $0x0  }
0x80: {  	s28 =	sadd.s32 $0x1500, s26;
	[sflag:s16] =	ssyncadd.s32 $0xFFFFC000  }
0x81: {  	[tilespmem:s15], [sflag:$0x1] =	stream.indirect.gather [hbm4b:s4+s18], $0x80, s28, s18, $0xb8;
	[tilespmem:$0x1FC00] =	vst v63  }
0x82: {  	_ =	swait.ge [sflag:s21], $0x4000  }
0x83: {  	[sflag:s21] =	ssyncset.done $0x0  }
.Ltmp2:
0x84: {  	s28 =	sadd.s32 $0x2880, s26;
	[sflag:s21] =	ssyncadd.s32 $0xFFFFC000;
	(pc) =	sbr.rel @p0 .LBB2_6-.Ltmp2, $4  }
0x85: {  	[spmem:s1] =	stream.indirect.scatter.add.f32 [tilespmem:s19], [sflag:$0x3], $0x80, s28, s18, $0xb8;
	[tilespmem:$0x1FC00] =	vst v63  }
0x86: {  	_ =	swait.ge [sflag:s16], $0x4000  }
0x87: {  	[sflag:s16] =	ssyncset.done $0x0  }
0x88: {  	s26 =	sadd.s32 $0x1580, s26;
	[sflag:s16] =	ssyncadd.s32 $0xFFFFC000  }
0x89: {  	[tilespmem:s19], [sflag:$0x2] =	stream.indirect.gather [hbm4b:s4+s18], $0x80, s26, s18, $0xb8;
	[tilespmem:$0x1FC00] =	vst v63  }
0x8a: {  	_ =	swait.ge [sflag:s20], $0x4000  }
0x8b: {  	[sflag:s20] =	ssyncset.done $0x0  }
0x8c: {  	[sflag:s20] =	ssyncadd.s32 $0xFFFFC000  }
0x8d: {  	[spmem:s1] =	stream.indirect.scatter.add.f32 [tilespmem:s15], [sflag:$0x3], $0x80, s22, s18, $0xb8;
	[tilespmem:$0x1FC00] =	vst v63  }
0x8e: {  	_ =	swait.ge [sflag:s16], $0x4000  }
0x8f: {  	[sflag:s16] =	ssyncset.done $0x0  }
0x90: {  	[sflag:s16] =	ssyncadd.s32 $0xFFFFC000  }
0x91: {  	[tilespmem:s15], [sflag:$0x1] =	stream.indirect.gather [hbm4b:s4+s18], $0x80, s3, s18, $0xb8;
	[tilespmem:$0x1FC00] =	vst v63  }
0x92: {  	_ =	swait.ge [sflag:s21], $0x4000  }
0x93: {  	[sflag:s21] =	ssyncset.done $0x0  }
0x94: {  	[sflag:s21] =	ssyncadd.s32 $0xFFFFC000  }
0x95: {  	[spmem:s1] =	stream.indirect.scatter.add.f32 [tilespmem:s19], [sflag:$0x3], $0x80, s23, s18, $0xb8;
	[tilespmem:$0x1FC00] =	vst v63  }
0x96: {  	_ =	swait.ge [sflag:s16], $0x4000  }
0x97: {  	[sflag:s16] =	ssyncset.done $0x0  }
0x98: {  	[sflag:s16] =	ssyncadd.s32 $0xFFFFC000  }
0x99: {  	[tilespmem:s19], [sflag:$0x2] =	stream.indirect.gather [hbm4b:s4+s18], $0x80, s18, s18, $0xb8;
	[tilespmem:$0x1FC00] =	vst v63  }
0x9a: {  	_ =	swait.ge [sflag:s20], $0x4000  }
0x9b: {  	[sflag:s20] =	ssyncset.done $0x0  }
0x9c: {  	[sflag:s20] =	ssyncadd.s32 $0xFFFFC000  }
0x9d: {  	_ =	swait.ge [sflag:s21], $0x4000  }
0x9e: {  	s25 =	sshll.u32 s2, $0x6;
	s24 =	sadd.s32 $0x1, s24;
	[sflag:s21] =	ssyncset.done $0x0  }
0x9f: {  	s31 =	sshrl.u32 s5, $0x3;
	p0 =	sne.s32 s24, s14;
	[sflag:s21] =	ssyncadd.s32 $0xFFFFC000  }
.Ltmp3:
0xa0: {  	s25 =	sor.u32 $0x1C03, s25;
	[bflag:$0x0] =	sbarrier.arrive $0xFFFF;
	(pc) =	sbr.rel @p0 .LBB2_1-.Ltmp3, $4  }
0xa1: {  	[hbm:s13], [sflag:s25] =	dma.local [spmem:s31], $0x2800  }
0xa2: {  	_ =	swait.ge [sflag:s16], $0x2800  }
0xa3: {  	[sflag:s16] =	ssyncset.done $0x0  }
0xa4: {  	[sflag:s16] =	ssyncadd.s32 $0xFFFFD800  }
0xa5: {  	_ =	sfence.sel $0x180000  }
0xa6: {  	[bflag:$0x0] =	sbarrier.arrive $0xFFFF  }
0xa7: {  	p0 =	sne.s32 s2, $0x0;
	_ =	strace $0x9000004A  }
0xa8: {  	s0 =	sadd.s32 @!p0 $0x100000, s0;
	[bflag:$0x2] =	sbarrier.arrive $0xFFFF  }
0xa9: {  	[sflag:s0] =	ssyncadd.tile.s32 @!p0 $0x1;
	_ =	shalt  }
.Lfunc_end2:
_tile_overlayer_lowered:
.L_overlay_start_2:
0xaa: {  	(tag) =	ssettag $0x2  }
0xab: {  	s0 =	rddreg [dreg:$0x0];
	s2 =	stileid.u32  }
0xac: {  	s1 =	rddreg [dreg:$0x1];
	p0 =	sne.s32 s2, $0x0  }
0xad: {  	s3 =	rddreg [dreg:$0x2];
	[bflag:$0x3] =	sbarrier.arrive $0xFFFF;
	s2 =	simm.s32 @!p0 $0x1C03  }
0xae: {  	[timem:s3], [sflag:s2] =	dma.local @!p0 [hbm:s0], s1  }
0xaf: {  	s0 =	simm.s32 @!p0 $0x3  }
0xb0: {  	_ =	swait.ge @!p0 [sflag:s0], s1  }
0xb1: {  	s1 =	ssub.s32 @!p0 $0x0, s1;
	[sflag:s0] =	ssyncset.done @!p0 $0x0  }
0xb2: {  	[sflag:s0] =	ssyncadd.s32 @!p0 s1  }
0xb3: {  	[bflag:$0x3] =	sbarrier.arrive $0xFFFF  }
0xb4: {  	_ =	shalt  }

</sc_bundles>
